<compile_context>
chip_gen: v7x
topology: tpu7x:2x2x1
jax: 0.10.2.dev20260603
libtpu: 0.0.44.dev20260713+nightly
codegen_flags: <defaults>
</compile_context>

<pallas_src>
import functools

import jax
import jax.numpy as jnp
from jax import lax
from jax.experimental import pallas as pl
from jax.experimental.pallas import tpu as pltpu
from jax.experimental.pallas import tpu_sc as plsc

NC = 2
NS = 16
CHUNK = 128


def _sc_segment_sum(x, src3, dst3, zeros_hbm, n_pad, cpw):
    d = x.shape[1]
    rows_per_tile = n_pad // NS

    half = cpw // 2

    def full_body(x_hbm, src_hbm, dst_hbm, z_hbm, out_hbm, src_v, dst_v,
                  buf_a, buf_b, acc, sem_a, sem_b):
        c = lax.axis_index("c")
        s = lax.axis_index("s")
        wid = s * NC + c
        bufs = (buf_a, buf_b)
        sems = (sem_a, sem_b)

        for h in range(2):
            pltpu.sync_copy(src_hbm.at[wid, pl.ds(h * half, half)], src_v)
            pltpu.sync_copy(dst_hbm.at[wid, pl.ds(h * half, half)], dst_v)

            if h == 0:
                @pl.when(s == 0)
                def _():
                    pltpu.sync_copy(z_hbm, acc)

                plsc.subcore_barrier()

            for b in range(2):
                pltpu.async_copy(x_hbm.at[src_v.at[b]], bufs[b], sems[b])

            def ring(t, carry):
                g = 2 * t
                for b in range(2):
                    j = g + b
                    pltpu.make_async_copy(x_hbm.at[src_v.at[j]], bufs[b],
                                          sems[b]).wait()
                    pltpu.sync_copy(bufs[b], acc.at[dst_v.at[j]], add=True)
                    pltpu.async_copy(x_hbm.at[src_v.at[j + 2]], bufs[b],
                                     sems[b])
                return carry

            lax.fori_loop(0, (half - 2) // 2, ring, 0)

            for b in range(2):
                j = half - 2 + b
                pltpu.make_async_copy(x_hbm.at[src_v.at[j]], bufs[b],
                                      sems[b]).wait()
                pltpu.sync_copy(bufs[b], acc.at[dst_v.at[j]], add=True)

        plsc.subcore_barrier()

        r0 = s * rows_per_tile
        pltpu.sync_copy(acc.at[pl.ds(r0, rows_per_tile)],
                        out_hbm.at[c, pl.ds(r0, rows_per_tile)])

    mesh = plsc.VectorSubcoreMesh(core_axis_name="c", subcore_axis_name="s")
    k = pl.kernel(
        full_body,
        out_type=jax.ShapeDtypeStruct((NC, n_pad, d), jnp.float32),
        mesh=mesh,
        scratch_types=[
            pltpu.VMEM((half, CHUNK), jnp.int32),
            pltpu.VMEM((half, CHUNK), jnp.int32),
            pltpu.VMEM((CHUNK, d), jnp.float32),
            pltpu.VMEM((CHUNK, d), jnp.float32),
            pltpu.VMEM_SHARED((n_pad, d), jnp.float32),
            pltpu.SemaphoreType.DMA,
            pltpu.SemaphoreType.DMA,
        ],
    )
    return k(x, src3, dst3, zeros_hbm)


def _mm(a, b_t):
    return lax.dot_general(a, b_t, (((1,), (1,)), ((), ())),
                           preferred_element_type=jnp.float32,
                           precision=lax.Precision.DEFAULT)


def _fused_mlp_body(x_ref, p_ref, w1a_ref, w1b_ref, b1_ref, g1_ref, be1_ref,
                    w2_ref, b2_ref, g2_ref, be2_ref, o_ref,
                    h1_scr, h2_scr, sum1, sq1, sum2, sq2, *, n, bl, nb, eps):
    p = pl.program_id(0)
    j = pl.program_id(1)
    rows = pl.ds(j * bl, bl)

    @pl.when(p == 0)
    def _():
        agg = p_ref[0] + p_ref[1]
        h = (_mm(x_ref[...], w1a_ref[...]) + _mm(agg, w1b_ref[...])
             + b1_ref[...])
        h1_scr[rows, :] = h
        s = jnp.sum(h, axis=0, keepdims=True)
        q = jnp.sum(h * h, axis=0, keepdims=True)

        @pl.when(j == 0)
        def _():
            sum1[...] = s
            sq1[...] = q

        @pl.when(j > 0)
        def _():
            sum1[...] += s
            sq1[...] += q

    @pl.when(p == 1)
    def _():
        mean = sum1[...] * (1.0 / n)
        var = sq1[...] * (1.0 / n) - mean * mean
        h = ((h1_scr[rows, :] - mean) * lax.rsqrt(var + eps) * g1_ref[...]
             + be1_ref[...])
        h = jnp.maximum(h, 0.0)
        h2 = _mm(h, w2_ref[...]) + b2_ref[...]
        h2_scr[rows, :] = h2
        s = jnp.sum(h2, axis=0, keepdims=True)
        q = jnp.sum(h2 * h2, axis=0, keepdims=True)

        @pl.when(j == 0)
        def _():
            sum2[...] = s
            sq2[...] = q

        @pl.when(j > 0)
        def _():
            sum2[...] += s
            sq2[...] += q

    @pl.when(p == 2)
    def _():
        mean = sum2[...] * (1.0 / n)
        var = sq2[...] * (1.0 / n) - mean * mean
        h2 = ((h2_scr[rows, :] - mean) * lax.rsqrt(var + eps) * g2_ref[...]
              + be2_ref[...])
        o_ref[...] = jnp.maximum(h2, 0.0)


def _mlp(x, partials, W1, b1, g1, be1, W2, b2, g2, be2, eps):
    n, d = x.shape
    d_hid = W1.shape[0]
    d_out = W2.shape[0]
    bl = 2000
    nb = n // bl
    w1a = W1[:, :d]
    w1b = W1[:, d:]
    row_if = lambda ph: (lambda p, j: (jnp.where(p == ph, j, 0), 0))
    fixed = lambda p, j: (0, 0)
    vec_spec = lambda w: pl.BlockSpec((w,), lambda p, j: (0,))

    return pl.pallas_call(
        functools.partial(_fused_mlp_body, n=n, bl=bl, nb=nb, eps=eps),
        grid=(3, nb),
        in_specs=[
            pl.BlockSpec((bl, d), row_if(0)),
            pl.BlockSpec((2, bl, d), lambda p, j: (0, jnp.where(p == 0, j, 0),
                                                   0)),
            pl.BlockSpec((d_hid, d), fixed),
            pl.BlockSpec((d_hid, d), fixed),
            vec_spec(d_hid),
            vec_spec(d_hid),
            vec_spec(d_hid),
            pl.BlockSpec((d_out, d_hid), fixed),
            vec_spec(d_out),
            vec_spec(d_out),
            vec_spec(d_out),
        ],
        out_specs=pl.BlockSpec((bl, d_out), row_if(2)),
        out_shape=jax.ShapeDtypeStruct((n, d_out), jnp.float32),
        scratch_shapes=[
            pltpu.VMEM((n, d_hid), jnp.float32),
            pltpu.VMEM((n, d_out), jnp.float32),
            pltpu.VMEM((1, d_hid), jnp.float32),
            pltpu.VMEM((1, d_hid), jnp.float32),
            pltpu.VMEM((1, d_out), jnp.float32),
            pltpu.VMEM((1, d_out), jnp.float32),
        ],
        compiler_params=pltpu.CompilerParams(
            vmem_limit_bytes=60 * 1024 * 1024),
    )(x, partials, w1a, w1b, b1, g1, be1, W2, b2, g2, be2)


def kernel(x, edge_index, W1, b1, g1, be1, W2, b2, g2, be2):
    n, d = x.shape
    e = edge_index.shape[1]
    eps = 1e-5

    src = edge_index[0].astype(jnp.int32)
    dst = edge_index[1].astype(jnp.int32)
    nw = NC * NS
    cpw = -(-e // (nw * CHUNK))
    cpw = -(-cpw // 4) * 4
    e_pad = nw * cpw * CHUNK
    n_pad = -(-(n + 1) // (NS * 8)) * (NS * 8)
    pad = e_pad - e
    pad_i = jnp.arange(pad, dtype=jnp.int32)
    src = jnp.concatenate([src, pad_i % n])
    dst = jnp.concatenate([dst, n + pad_i % (n_pad - n)])
    src3 = src.reshape(nw, cpw, CHUNK)
    dst3 = dst.reshape(nw, cpw, CHUNK)
    zeros_hbm = jnp.zeros((n_pad, d), jnp.float32)

    partials = _sc_segment_sum(x, src3, dst3, zeros_hbm, n_pad, cpw)
    return _mlp(x, partials, W1, b1, g1, be1, W2, b2, g2, be2, eps)

# --- scband reference (transcript-rebuilt; emitter-appended) ---
"""Pipeline reference for scband-convolutional-layer1-77764677861555 (READ-ONLY COPY).

The authoritative reference and input builder live on the scoring server;
editing this copy changes nothing except your own understanding.
"""

import jax, jax.numpy as jnp
import numpy as np

N = 10000
E = 320000
D_IN = 128
D_HID = 4 * D_IN
D_OUT = 128
EPS = 1e-5

def setup_inputs(seed: int = 0) -> dict:
    key = jax.random.key(seed)
    k = jax.random.split(key, 8)
    x = jax.random.normal(k[0], (N, D_IN), dtype=jnp.float32)
    edge_index = jax.random.randint(k[1], (2, E), 0, N, dtype=jnp.int64)
    W1 = jax.random.normal(k[2], (D_HID, 2 * D_IN), dtype=jnp.float32) * 0.02
    b1 = jnp.zeros((D_HID,), dtype=jnp.float32)
    g1 = jnp.ones((D_HID,), dtype=jnp.float32)
    be1 = jnp.zeros((D_HID,), dtype=jnp.float32)
    W2 = jax.random.normal(k[3], (D_OUT, D_HID), dtype=jnp.float32) * 0.02
    b2 = jnp.zeros((D_OUT,), dtype=jnp.float32)
    g2 = jnp.ones((D_OUT,), dtype=jnp.float32)
    be2 = jnp.zeros((D_OUT,), dtype=jnp.float32)
    return {"x": x, "edge_index": edge_index, "W1": W1, "b1": b1, "g1": g1, "be1": be1, "W2": W2, "b2": b2, "g2": g2, "be2": be2}

def _batchnorm(h, gamma, beta):
    mean = jnp.mean(h, axis=0)
    var = jnp.var(h, axis=0)
    return (h - mean) / jnp.sqrt(var + EPS) * gamma + beta

def reference(x, edge_index, W1, b1, g1, be1, W2, b2, g2, be2):
    # transfer1 over 1-hop neighborhoods: each node's ptensor1 collects
    # (identity channel, neighborhood-reduced channel) -> 2*channels_in features.
    src = edge_index[0]
    dst = edge_index[1]
    agg = jax.ops.segment_sum(jnp.take(x, src, axis=0), dst, num_segments=N)
    h = jnp.concatenate([x, agg], axis=1)
    h = h @ W1.T + b1
    h = jax.nn.relu(_batchnorm(h, g1, be1))
    h = h @ W2.T + b2
    h = jax.nn.relu(_batchnorm(h, g2, be2))
    return h

if __name__ == "__main__":
    import jax
    _d = setup_inputs()
    print(jax.jit(kernel)(*tuple(_d.values())))

</pallas_src>

<mosaic_0001>
#map = affine_map<(d0, d1) -> (0, 0)>
#map1 = affine_map<(d0, d1) -> (0, 0, 0)>
module attributes {stable_mosaic.version = 14 : i64} {
  func.func @full_body(%arg0: i32, %arg1: i32, %arg2: memref<10000x128xf32, #tpu.memory_space<hbm>>, %arg3: memref<32x80x128xi32, #tpu.memory_space<hbm>>, %arg4: memref<32x80x128xi32, #tpu.memory_space<hbm>>, %arg5: memref<10112x128xf32, #tpu.memory_space<hbm>>, %arg6: memref<2x10112x128xf32, #tpu.memory_space<hbm>>, %arg7: memref<40x128xi32, #tpu.memory_space<vmem>>, %arg8: memref<40x128xi32, #tpu.memory_space<vmem>>, %arg9: memref<128x128xf32, #tpu.memory_space<vmem>>, %arg10: memref<128x128xf32, #tpu.memory_space<vmem>>, %arg11: memref<10112x128xf32, #tpu.memory_space<vmem_shared>>, %arg12: memref<!tpu.dma_semaphore, #tpu.memory_space<semaphore_mem>>, %arg13: memref<!tpu.dma_semaphore, #tpu.memory_space<semaphore_mem>>) attributes {dimension_semantics = [#tpu.dimension_semantics<core_parallel>, #tpu.dimension_semantics<subcore_parallel>], iteration_bounds = array<i64: 2, 16>, scalar_prefetch = 0 : i64, scratch_operands = 7 : i64, tpu.core_type = #tpu.core_type<sc_vector_subcore>, window_params = [{transform_indices = #map}, {transform_indices = #map1}, {transform_indices = #map1}, {transform_indices = #map}, {transform_indices = #map1}]} {
    %mul3A = arith.constant 2 : i32
    %mul3A_0 = arith.muli %arg1, %mul3A : i32
    %add3A = arith.addi %mul3A_0, %arg0 : i32
    "tpu.region"() ({
      %run_scoped3A_74 = tpu.sem_alloc : memref<!tpu.dma_semaphore, #tpu.memory_space<semaphore_mem>>
      %dma_start3A_75 = arith.constant 0 : i32
      %dma_start3A_76 = arith.constant 0 : i32
      %dma_start3A_77 = tpu.memref_slice %arg3[%add3A, %dma_start3A_75, %dma_start3A_76] : memref<32x80x128xi32, #tpu.memory_space<hbm>> -> memref<1x40x128xi32, #tpu.memory_space<hbm>>
      %dma_start3A_78 = tpu.memref_squeeze %dma_start3A_77 : memref<1x40x128xi32, #tpu.memory_space<hbm>> -> memref<40x128xi32, #tpu.memory_space<hbm>>
      %dma_start3A_79 = arith.constant 0 : i32
      %dma_start3A_80 = arith.constant 0 : i32
      %dma_start3A_81 = tpu.memref_slice %arg3[%add3A, %dma_start3A_79, %dma_start3A_80] : memref<32x80x128xi32, #tpu.memory_space<hbm>> -> memref<1x40x128xi32, #tpu.memory_space<hbm>>
      %dma_start3A_82 = tpu.memref_squeeze %dma_start3A_81 : memref<1x40x128xi32, #tpu.memory_space<hbm>> -> memref<40x128xi32, #tpu.memory_space<hbm>>
      tpu.enqueue_dma source(%dma_start3A_82 : memref<40x128xi32, #tpu.memory_space<hbm>>) target(%arg7 : memref<40x128xi32, #tpu.memory_space<vmem>>) target_semaphore(%run_scoped3A_74 : memref<!tpu.dma_semaphore, #tpu.memory_space<semaphore_mem>>)
      %dma_wait3A_83 = arith.constant 0 : i32
      %dma_wait3A_84 = arith.constant 0 : i32
      %dma_wait3A_85 = tpu.memref_slice %arg3[%add3A, %dma_wait3A_83, %dma_wait3A_84] : memref<32x80x128xi32, #tpu.memory_space<hbm>> -> memref<1x40x128xi32, #tpu.memory_space<hbm>>
      %dma_wait3A_86 = tpu.memref_squeeze %dma_wait3A_85 : memref<1x40x128xi32, #tpu.memory_space<hbm>> -> memref<40x128xi32, #tpu.memory_space<hbm>>
      %dma_wait3A_87 = arith.constant 0 : i32
      %dma_wait3A_88 = arith.constant 0 : i32
      %dma_wait3A_89 = tpu.memref_slice %arg3[%add3A, %dma_wait3A_87, %dma_wait3A_88] : memref<32x80x128xi32, #tpu.memory_space<hbm>> -> memref<1x40x128xi32, #tpu.memory_space<hbm>>
      %dma_wait3A_90 = tpu.memref_squeeze %dma_wait3A_89 : memref<1x40x128xi32, #tpu.memory_space<hbm>> -> memref<40x128xi32, #tpu.memory_space<hbm>>
      tpu.wait_dma2 semaphore(%run_scoped3A_74 : memref<!tpu.dma_semaphore, #tpu.memory_space<semaphore_mem>>) src(%dma_wait3A_90 : memref<40x128xi32, #tpu.memory_space<hbm>>) dst(%arg7 : memref<40x128xi32, #tpu.memory_space<vmem>>)
      tpu.yield
    }) : () -> ()
    "tpu.region"() ({
      %run_scoped3A_74 = tpu.sem_alloc : memref<!tpu.dma_semaphore, #tpu.memory_space<semaphore_mem>>
      %dma_start3A_75 = arith.constant 0 : i32
      %dma_start3A_76 = arith.constant 0 : i32
      %dma_start3A_77 = tpu.memref_slice %arg4[%add3A, %dma_start3A_75, %dma_start3A_76] : memref<32x80x128xi32, #tpu.memory_space<hbm>> -> memref<1x40x128xi32, #tpu.memory_space<hbm>>
      %dma_start3A_78 = tpu.memref_squeeze %dma_start3A_77 : memref<1x40x128xi32, #tpu.memory_space<hbm>> -> memref<40x128xi32, #tpu.memory_space<hbm>>
      %dma_start3A_79 = arith.constant 0 : i32
      %dma_start3A_80 = arith.constant 0 : i32
      %dma_start3A_81 = tpu.memref_slice %arg4[%add3A, %dma_start3A_79, %dma_start3A_80] : memref<32x80x128xi32, #tpu.memory_space<hbm>> -> memref<1x40x128xi32, #tpu.memory_space<hbm>>
      %dma_start3A_82 = tpu.memref_squeeze %dma_start3A_81 : memref<1x40x128xi32, #tpu.memory_space<hbm>> -> memref<40x128xi32, #tpu.memory_space<hbm>>
      tpu.enqueue_dma source(%dma_start3A_82 : memref<40x128xi32, #tpu.memory_space<hbm>>) target(%arg8 : memref<40x128xi32, #tpu.memory_space<vmem>>) target_semaphore(%run_scoped3A_74 : memref<!tpu.dma_semaphore, #tpu.memory_space<semaphore_mem>>)
      %dma_wait3A_83 = arith.constant 0 : i32
      %dma_wait3A_84 = arith.constant 0 : i32
      %dma_wait3A_85 = tpu.memref_slice %arg4[%add3A, %dma_wait3A_83, %dma_wait3A_84] : memref<32x80x128xi32, #tpu.memory_space<hbm>> -> memref<1x40x128xi32, #tpu.memory_space<hbm>>
      %dma_wait3A_86 = tpu.memref_squeeze %dma_wait3A_85 : memref<1x40x128xi32, #tpu.memory_space<hbm>> -> memref<40x128xi32, #tpu.memory_space<hbm>>
      %dma_wait3A_87 = arith.constant 0 : i32
      %dma_wait3A_88 = arith.constant 0 : i32
      %dma_wait3A_89 = tpu.memref_slice %arg4[%add3A, %dma_wait3A_87, %dma_wait3A_88] : memref<32x80x128xi32, #tpu.memory_space<hbm>> -> memref<1x40x128xi32, #tpu.memory_space<hbm>>
      %dma_wait3A_90 = tpu.memref_squeeze %dma_wait3A_89 : memref<1x40x128xi32, #tpu.memory_space<hbm>> -> memref<40x128xi32, #tpu.memory_space<hbm>>
      tpu.wait_dma2 semaphore(%run_scoped3A_74 : memref<!tpu.dma_semaphore, #tpu.memory_space<semaphore_mem>>) src(%dma_wait3A_90 : memref<40x128xi32, #tpu.memory_space<hbm>>) dst(%arg8 : memref<40x128xi32, #tpu.memory_space<vmem>>)
      tpu.yield
    }) : () -> ()
    %eq3A = arith.constant 0 : i32
    %eq3A_1 = arith.cmpi eq, %arg1, %eq3A : i32
    %convert_element_type3A = arith.extui %eq3A_1 : i1 to i32
    %cond3A = arith.constant 0 : i32
    %cond3A_2 = arith.cmpi ne, %convert_element_type3A, %cond3A : i32
    scf.if %cond3A_2 {
      "tpu.region"() ({
        %run_scoped3A_74 = tpu.sem_alloc : memref<!tpu.dma_semaphore, #tpu.memory_space<semaphore_mem>>
        tpu.enqueue_dma source(%arg5 : memref<10112x128xf32, #tpu.memory_space<hbm>>) target(%arg11 : memref<10112x128xf32, #tpu.memory_space<vmem_shared>>) target_semaphore(%run_scoped3A_74 : memref<!tpu.dma_semaphore, #tpu.memory_space<semaphore_mem>>)
        tpu.wait_dma2 semaphore(%run_scoped3A_74 : memref<!tpu.dma_semaphore, #tpu.memory_space<semaphore_mem>>) src(%arg5 : memref<10112x128xf32, #tpu.memory_space<hbm>>) dst(%arg11 : memref<10112x128xf32, #tpu.memory_space<vmem_shared>>)
        tpu.yield
      }) : () -> ()
    } else {
    }
    %barrier3A = arith.constant 0 : index
    tpu.barrier barrier_id(%barrier3A)
    %dma_start3A = arith.constant 0 : i32
    %dma_start3A_3 = arith.constant 0 : i32
    %dma_start3A_4 = tpu.memref_slice %arg7[%dma_start3A, %dma_start3A_3] : memref<40x128xi32, #tpu.memory_space<vmem>> -> memref<1x128xi32, #tpu.memory_space<vmem>>
    %dma_start3A_5 = tpu.memref_squeeze %dma_start3A_4 : memref<1x128xi32, #tpu.memory_space<vmem>> -> memref<128xi32, #tpu.memory_space<vmem>>
    %dma_start3A_6 = arith.constant 0 : i32
    %dma_start3A_7 = arith.constant 0 : i32
    %dma_start3A_8 = tpu.memref_slice %arg2[%dma_start3A_6, %dma_start3A_7] : memref<10000x128xf32, #tpu.memory_space<hbm>> -> memref<10000x128xf32, #tpu.memory_space<hbm>>
    tpu.enqueue_indirect_dma source(%dma_start3A_8 : memref<10000x128xf32, #tpu.memory_space<hbm>>) target(%arg9 : memref<128x128xf32, #tpu.memory_space<vmem>>) offsets(%dma_start3A_5 : memref<128xi32, #tpu.memory_space<vmem>>) semaphore(%arg12 : memref<!tpu.dma_semaphore, #tpu.memory_space<semaphore_mem>>)
    %dma_start3A_9 = arith.constant 1 : i32
    %dma_start3A_10 = arith.constant 0 : i32
    %dma_start3A_11 = tpu.memref_slice %arg7[%dma_start3A_9, %dma_start3A_10] : memref<40x128xi32, #tpu.memory_space<vmem>> -> memref<1x128xi32, #tpu.memory_space<vmem>>
    %dma_start3A_12 = tpu.memref_squeeze %dma_start3A_11 : memref<1x128xi32, #tpu.memory_space<vmem>> -> memref<128xi32, #tpu.memory_space<vmem>>
    %dma_start3A_13 = arith.constant 0 : i32
    %dma_start3A_14 = arith.constant 0 : i32
    %dma_start3A_15 = tpu.memref_slice %arg2[%dma_start3A_13, %dma_start3A_14] : memref<10000x128xf32, #tpu.memory_space<hbm>> -> memref<10000x128xf32, #tpu.memory_space<hbm>>
    tpu.enqueue_indirect_dma source(%dma_start3A_15 : memref<10000x128xf32, #tpu.memory_space<hbm>>) target(%arg10 : memref<128x128xf32, #tpu.memory_space<vmem>>) offsets(%dma_start3A_12 : memref<128xi32, #tpu.memory_space<vmem>>) semaphore(%arg13 : memref<!tpu.dma_semaphore, #tpu.memory_space<semaphore_mem>>)
    %scan3A = arith.constant 0 : i32
    %scan3A_16 = arith.constant 0 : i32
    %scan3A_17 = arith.constant 19 : i32
    %scan3A_18 = arith.addi %scan3A_16, %scan3A_17 : i32
    %scan3A_19 = arith.constant 1 : i32
    scf.for %scan3A_74 = %scan3A_16 to %scan3A_18 step %scan3A_19  : i32 {
      %mul3A_75 = arith.constant 2 : i32
      %mul3A_76 = arith.muli %mul3A_75, %scan3A_74 : i32
      %add3A_77 = arith.constant 0 : i32
      %add3A_78 = arith.addi %mul3A_76, %add3A_77 : i32
      %dma_wait3A_79 = arith.constant 0 : i32
      %dma_wait3A_80 = tpu.memref_slice %arg7[%add3A_78, %dma_wait3A_79] : memref<40x128xi32, #tpu.memory_space<vmem>> -> memref<1x128xi32, #tpu.memory_space<vmem>>
      %dma_wait3A_81 = tpu.memref_squeeze %dma_wait3A_80 : memref<1x128xi32, #tpu.memory_space<vmem>> -> memref<128xi32, #tpu.memory_space<vmem>>
      %dma_wait3A_82 = arith.constant 0 : i32
      %dma_wait3A_83 = arith.constant 0 : i32
      %dma_wait3A_84 = tpu.memref_slice %arg2[%dma_wait3A_82, %dma_wait3A_83] : memref<10000x128xf32, #tpu.memory_space<hbm>> -> memref<10000x128xf32, #tpu.memory_space<hbm>>
      tpu.wait_indirect_dma semaphore(%arg12 : memref<!tpu.dma_semaphore, #tpu.memory_space<semaphore_mem>>) src(%dma_wait3A_84 : memref<10000x128xf32, #tpu.memory_space<hbm>>) dst(%arg9 : memref<128x128xf32, #tpu.memory_space<vmem>>)
      "tpu.region"() ({
        %run_scoped3A_109 = tpu.sem_alloc : memref<!tpu.dma_semaphore, #tpu.memory_space<semaphore_mem>>
        %dma_start3A_110 = arith.constant 0 : i32
        %dma_start3A_111 = tpu.memref_slice %arg8[%add3A_78, %dma_start3A_110] : memref<40x128xi32, #tpu.memory_space<vmem>> -> memref<1x128xi32, #tpu.memory_space<vmem>>
        %dma_start3A_112 = tpu.memref_squeeze %dma_start3A_111 : memref<1x128xi32, #tpu.memory_space<vmem>> -> memref<128xi32, #tpu.memory_space<vmem>>
        %dma_start3A_113 = arith.constant 0 : i32
        %dma_start3A_114 = arith.constant 0 : i32
        %dma_start3A_115 = tpu.memref_slice %arg11[%dma_start3A_113, %dma_start3A_114] : memref<10112x128xf32, #tpu.memory_space<vmem_shared>> -> memref<10112x128xf32, #tpu.memory_space<vmem_shared>>
        tpu.enqueue_indirect_dma source(%arg9 : memref<128x128xf32, #tpu.memory_space<vmem>>) target(%dma_start3A_115 : memref<10112x128xf32, #tpu.memory_space<vmem_shared>>) offsets(%dma_start3A_112 : memref<128xi32, #tpu.memory_space<vmem>>) semaphore(%run_scoped3A_109 : memref<!tpu.dma_semaphore, #tpu.memory_space<semaphore_mem>>) {add = true}
        %dma_wait3A_116 = arith.constant 0 : i32
        %dma_wait3A_117 = tpu.memref_slice %arg8[%add3A_78, %dma_wait3A_116] : memref<40x128xi32, #tpu.memory_space<vmem>> -> memref<1x128xi32, #tpu.memory_space<vmem>>
        %dma_wait3A_118 = tpu.memref_squeeze %dma_wait3A_117 : memref<1x128xi32, #tpu.memory_space<vmem>> -> memref<128xi32, #tpu.memory_space<vmem>>
        %dma_wait3A_119 = arith.constant 0 : i32
        %dma_wait3A_120 = arith.constant 0 : i32
        %dma_wait3A_121 = tpu.memref_slice %arg11[%dma_wait3A_119, %dma_wait3A_120] : memref<10112x128xf32, #tpu.memory_space<vmem_shared>> -> memref<10112x128xf32, #tpu.memory_space<vmem_shared>>
        tpu.wait_indirect_dma semaphore(%run_scoped3A_109 : memref<!tpu.dma_semaphore, #tpu.memory_space<semaphore_mem>>) src(%arg9 : memref<128x128xf32, #tpu.memory_space<vmem>>) dst(%dma_wait3A_121 : memref<10112x128xf32, #tpu.memory_space<vmem_shared>>)
        tpu.yield
      }) : () -> ()
      %add3A_85 = arith.constant 2 : i32
      %add3A_86 = arith.addi %add3A_78, %add3A_85 : i32
      %dma_start3A_87 = arith.constant 0 : i32
      %dma_start3A_88 = tpu.memref_slice %arg7[%add3A_86, %dma_start3A_87] : memref<40x128xi32, #tpu.memory_space<vmem>> -> memref<1x128xi32, #tpu.memory_space<vmem>>
      %dma_start3A_89 = tpu.memref_squeeze %dma_start3A_88 : memref<1x128xi32, #tpu.memory_space<vmem>> -> memref<128xi32, #tpu.memory_space<vmem>>
      %dma_start3A_90 = arith.constant 0 : i32
      %dma_start3A_91 = arith.constant 0 : i32
      %dma_start3A_92 = tpu.memref_slice %arg2[%dma_start3A_90, %dma_start3A_91] : memref<10000x128xf32, #tpu.memory_space<hbm>> -> memref<10000x128xf32, #tpu.memory_space<hbm>>
      tpu.enqueue_indirect_dma source(%dma_start3A_92 : memref<10000x128xf32, #tpu.memory_space<hbm>>) target(%arg9 : memref<128x128xf32, #tpu.memory_space<vmem>>) offsets(%dma_start3A_89 : memref<128xi32, #tpu.memory_space<vmem>>) semaphore(%arg12 : memref<!tpu.dma_semaphore, #tpu.memory_space<semaphore_mem>>)
      %add3A_93 = arith.constant 1 : i32
      %add3A_94 = arith.addi %mul3A_76, %add3A_93 : i32
      %dma_wait3A_95 = arith.constant 0 : i32
      %dma_wait3A_96 = tpu.memref_slice %arg7[%add3A_94, %dma_wait3A_95] : memref<40x128xi32, #tpu.memory_space<vmem>> -> memref<1x128xi32, #tpu.memory_space<vmem>>
      %dma_wait3A_97 = tpu.memref_squeeze %dma_wait3A_96 : memref<1x128xi32, #tpu.memory_space<vmem>> -> memref<128xi32, #tpu.memory_space<vmem>>
      %dma_wait3A_98 = arith.constant 0 : i32
      %dma_wait3A_99 = arith.constant 0 : i32
      %dma_wait3A_100 = tpu.memref_slice %arg2[%dma_wait3A_98, %dma_wait3A_99] : memref<10000x128xf32, #tpu.memory_space<hbm>> -> memref<10000x128xf32, #tpu.memory_space<hbm>>
      tpu.wait_indirect_dma semaphore(%arg13 : memref<!tpu.dma_semaphore, #tpu.memory_space<semaphore_mem>>) src(%dma_wait3A_100 : memref<10000x128xf32, #tpu.memory_space<hbm>>) dst(%arg10 : memref<128x128xf32, #tpu.memory_space<vmem>>)
      "tpu.region"() ({
        %run_scoped3A_109 = tpu.sem_alloc : memref<!tpu.dma_semaphore, #tpu.memory_space<semaphore_mem>>
        %dma_start3A_110 = arith.constant 0 : i32
        %dma_start3A_111 = tpu.memref_slice %arg8[%add3A_94, %dma_start3A_110] : memref<40x128xi32, #tpu.memory_space<vmem>> -> memref<1x128xi32, #tpu.memory_space<vmem>>
        %dma_start3A_112 = tpu.memref_squeeze %dma_start3A_111 : memref<1x128xi32, #tpu.memory_space<vmem>> -> memref<128xi32, #tpu.memory_space<vmem>>
        %dma_start3A_113 = arith.constant 0 : i32
        %dma_start3A_114 = arith.constant 0 : i32
        %dma_start3A_115 = tpu.memref_slice %arg11[%dma_start3A_113, %dma_start3A_114] : memref<10112x128xf32, #tpu.memory_space<vmem_shared>> -> memref<10112x128xf32, #tpu.memory_space<vmem_shared>>
        tpu.enqueue_indirect_dma source(%arg10 : memref<128x128xf32, #tpu.memory_space<vmem>>) target(%dma_start3A_115 : memref<10112x128xf32, #tpu.memory_space<vmem_shared>>) offsets(%dma_start3A_112 : memref<128xi32, #tpu.memory_space<vmem>>) semaphore(%run_scoped3A_109 : memref<!tpu.dma_semaphore, #tpu.memory_space<semaphore_mem>>) {add = true}
        %dma_wait3A_116 = arith.constant 0 : i32
        %dma_wait3A_117 = tpu.memref_slice %arg8[%add3A_94, %dma_wait3A_116] : memref<40x128xi32, #tpu.memory_space<vmem>> -> memref<1x128xi32, #tpu.memory_space<vmem>>
        %dma_wait3A_118 = tpu.memref_squeeze %dma_wait3A_117 : memref<1x128xi32, #tpu.memory_space<vmem>> -> memref<128xi32, #tpu.memory_space<vmem>>
        %dma_wait3A_119 = arith.constant 0 : i32
        %dma_wait3A_120 = arith.constant 0 : i32
        %dma_wait3A_121 = tpu.memref_slice %arg11[%dma_wait3A_119, %dma_wait3A_120] : memref<10112x128xf32, #tpu.memory_space<vmem_shared>> -> memref<10112x128xf32, #tpu.memory_space<vmem_shared>>
        tpu.wait_indirect_dma semaphore(%run_scoped3A_109 : memref<!tpu.dma_semaphore, #tpu.memory_space<semaphore_mem>>) src(%arg10 : memref<128x128xf32, #tpu.memory_space<vmem>>) dst(%dma_wait3A_121 : memref<10112x128xf32, #tpu.memory_space<vmem_shared>>)
        tpu.yield
      }) : () -> ()
      %add3A_101 = arith.constant 2 : i32
      %add3A_102 = arith.addi %add3A_94, %add3A_101 : i32
      %dma_start3A_103 = arith.constant 0 : i32
      %dma_start3A_104 = tpu.memref_slice %arg7[%add3A_102, %dma_start3A_103] : memref<40x128xi32, #tpu.memory_space<vmem>> -> memref<1x128xi32, #tpu.memory_space<vmem>>
      %dma_start3A_105 = tpu.memref_squeeze %dma_start3A_104 : memref<1x128xi32, #tpu.memory_space<vmem>> -> memref<128xi32, #tpu.memory_space<vmem>>
      %dma_start3A_106 = arith.constant 0 : i32
      %dma_start3A_107 = arith.constant 0 : i32
      %dma_start3A_108 = tpu.memref_slice %arg2[%dma_start3A_106, %dma_start3A_107] : memref<10000x128xf32, #tpu.memory_space<hbm>> -> memref<10000x128xf32, #tpu.memory_space<hbm>>
      tpu.enqueue_indirect_dma source(%dma_start3A_108 : memref<10000x128xf32, #tpu.memory_space<hbm>>) target(%arg10 : memref<128x128xf32, #tpu.memory_space<vmem>>) offsets(%dma_start3A_105 : memref<128xi32, #tpu.memory_space<vmem>>) semaphore(%arg13 : memref<!tpu.dma_semaphore, #tpu.memory_space<semaphore_mem>>)
    }
    %scan3A_20 = arith.constant 19 : i32
    %dma_wait3A = arith.constant 38 : i32
    %dma_wait3A_21 = arith.constant 0 : i32
    %dma_wait3A_22 = tpu.memref_slice %arg7[%dma_wait3A, %dma_wait3A_21] : memref<40x128xi32, #tpu.memory_space<vmem>> -> memref<1x128xi32, #tpu.memory_space<vmem>>
    %dma_wait3A_23 = tpu.memref_squeeze %dma_wait3A_22 : memref<1x128xi32, #tpu.memory_space<vmem>> -> memref<128xi32, #tpu.memory_space<vmem>>
    %dma_wait3A_24 = arith.constant 0 : i32
    %dma_wait3A_25 = arith.constant 0 : i32
    %dma_wait3A_26 = tpu.memref_slice %arg2[%dma_wait3A_24, %dma_wait3A_25] : memref<10000x128xf32, #tpu.memory_space<hbm>> -> memref<10000x128xf32, #tpu.memory_space<hbm>>
    tpu.wait_indirect_dma semaphore(%arg12 : memref<!tpu.dma_semaphore, #tpu.memory_space<semaphore_mem>>) src(%dma_wait3A_26 : memref<10000x128xf32, #tpu.memory_space<hbm>>) dst(%arg9 : memref<128x128xf32, #tpu.memory_space<vmem>>)
    %run_scoped3A = arith.constant 38 : i32
    "tpu.region"() ({
      %run_scoped3A_74 = tpu.sem_alloc : memref<!tpu.dma_semaphore, #tpu.memory_space<semaphore_mem>>
      %dma_start3A_75 = arith.constant 0 : i32
      %dma_start3A_76 = tpu.memref_slice %arg8[%run_scoped3A, %dma_start3A_75] : memref<40x128xi32, #tpu.memory_space<vmem>> -> memref<1x128xi32, #tpu.memory_space<vmem>>
      %dma_start3A_77 = tpu.memref_squeeze %dma_start3A_76 : memref<1x128xi32, #tpu.memory_space<vmem>> -> memref<128xi32, #tpu.memory_space<vmem>>
      %dma_start3A_78 = arith.constant 0 : i32
      %dma_start3A_79 = arith.constant 0 : i32
      %dma_start3A_80 = tpu.memref_slice %arg11[%dma_start3A_78, %dma_start3A_79] : memref<10112x128xf32, #tpu.memory_space<vmem_shared>> -> memref<10112x128xf32, #tpu.memory_space<vmem_shared>>
      tpu.enqueue_indirect_dma source(%arg9 : memref<128x128xf32, #tpu.memory_space<vmem>>) target(%dma_start3A_80 : memref<10112x128xf32, #tpu.memory_space<vmem_shared>>) offsets(%dma_start3A_77 : memref<128xi32, #tpu.memory_space<vmem>>) semaphore(%run_scoped3A_74 : memref<!tpu.dma_semaphore, #tpu.memory_space<semaphore_mem>>) {add = true}
      %dma_wait3A_81 = arith.constant 0 : i32
      %dma_wait3A_82 = tpu.memref_slice %arg8[%run_scoped3A, %dma_wait3A_81] : memref<40x128xi32, #tpu.memory_space<vmem>> -> memref<1x128xi32, #tpu.memory_space<vmem>>
      %dma_wait3A_83 = tpu.memref_squeeze %dma_wait3A_82 : memref<1x128xi32, #tpu.memory_space<vmem>> -> memref<128xi32, #tpu.memory_space<vmem>>
      %dma_wait3A_84 = arith.constant 0 : i32
      %dma_wait3A_85 = arith.constant 0 : i32
      %dma_wait3A_86 = tpu.memref_slice %arg11[%dma_wait3A_84, %dma_wait3A_85] : memref<10112x128xf32, #tpu.memory_space<vmem_shared>> -> memref<10112x128xf32, #tpu.memory_space<vmem_shared>>
      tpu.wait_indirect_dma semaphore(%run_scoped3A_74 : memref<!tpu.dma_semaphore, #tpu.memory_space<semaphore_mem>>) src(%arg9 : memref<128x128xf32, #tpu.memory_space<vmem>>) dst(%dma_wait3A_86 : memref<10112x128xf32, #tpu.memory_space<vmem_shared>>)
      tpu.yield
    }) : () -> ()
    %dma_wait3A_27 = arith.constant 39 : i32
    %dma_wait3A_28 = arith.constant 0 : i32
    %dma_wait3A_29 = tpu.memref_slice %arg7[%dma_wait3A_27, %dma_wait3A_28] : memref<40x128xi32, #tpu.memory_space<vmem>> -> memref<1x128xi32, #tpu.memory_space<vmem>>
    %dma_wait3A_30 = tpu.memref_squeeze %dma_wait3A_29 : memref<1x128xi32, #tpu.memory_space<vmem>> -> memref<128xi32, #tpu.memory_space<vmem>>
    %dma_wait3A_31 = arith.constant 0 : i32
    %dma_wait3A_32 = arith.constant 0 : i32
    %dma_wait3A_33 = tpu.memref_slice %arg2[%dma_wait3A_31, %dma_wait3A_32] : memref<10000x128xf32, #tpu.memory_space<hbm>> -> memref<10000x128xf32, #tpu.memory_space<hbm>>
    tpu.wait_indirect_dma semaphore(%arg13 : memref<!tpu.dma_semaphore, #tpu.memory_space<semaphore_mem>>) src(%dma_wait3A_33 : memref<10000x128xf32, #tpu.memory_space<hbm>>) dst(%arg10 : memref<128x128xf32, #tpu.memory_space<vmem>>)
    %run_scoped3A_34 = arith.constant 39 : i32
    "tpu.region"() ({
      %run_scoped3A_74 = tpu.sem_alloc : memref<!tpu.dma_semaphore, #tpu.memory_space<semaphore_mem>>
      %dma_start3A_75 = arith.constant 0 : i32
      %dma_start3A_76 = tpu.memref_slice %arg8[%run_scoped3A_34, %dma_start3A_75] : memref<40x128xi32, #tpu.memory_space<vmem>> -> memref<1x128xi32, #tpu.memory_space<vmem>>
      %dma_start3A_77 = tpu.memref_squeeze %dma_start3A_76 : memref<1x128xi32, #tpu.memory_space<vmem>> -> memref<128xi32, #tpu.memory_space<vmem>>
      %dma_start3A_78 = arith.constant 0 : i32
      %dma_start3A_79 = arith.constant 0 : i32
      %dma_start3A_80 = tpu.memref_slice %arg11[%dma_start3A_78, %dma_start3A_79] : memref<10112x128xf32, #tpu.memory_space<vmem_shared>> -> memref<10112x128xf32, #tpu.memory_space<vmem_shared>>
      tpu.enqueue_indirect_dma source(%arg10 : memref<128x128xf32, #tpu.memory_space<vmem>>) target(%dma_start3A_80 : memref<10112x128xf32, #tpu.memory_space<vmem_shared>>) offsets(%dma_start3A_77 : memref<128xi32, #tpu.memory_space<vmem>>) semaphore(%run_scoped3A_74 : memref<!tpu.dma_semaphore, #tpu.memory_space<semaphore_mem>>) {add = true}
      %dma_wait3A_81 = arith.constant 0 : i32
      %dma_wait3A_82 = tpu.memref_slice %arg8[%run_scoped3A_34, %dma_wait3A_81] : memref<40x128xi32, #tpu.memory_space<vmem>> -> memref<1x128xi32, #tpu.memory_space<vmem>>
      %dma_wait3A_83 = tpu.memref_squeeze %dma_wait3A_82 : memref<1x128xi32, #tpu.memory_space<vmem>> -> memref<128xi32, #tpu.memory_space<vmem>>
      %dma_wait3A_84 = arith.constant 0 : i32
      %dma_wait3A_85 = arith.constant 0 : i32
      %dma_wait3A_86 = tpu.memref_slice %arg11[%dma_wait3A_84, %dma_wait3A_85] : memref<10112x128xf32, #tpu.memory_space<vmem_shared>> -> memref<10112x128xf32, #tpu.memory_space<vmem_shared>>
      tpu.wait_indirect_dma semaphore(%run_scoped3A_74 : memref<!tpu.dma_semaphore, #tpu.memory_space<semaphore_mem>>) src(%arg10 : memref<128x128xf32, #tpu.memory_space<vmem>>) dst(%dma_wait3A_86 : memref<10112x128xf32, #tpu.memory_space<vmem_shared>>)
      tpu.yield
    }) : () -> ()
    "tpu.region"() ({
      %run_scoped3A_74 = tpu.sem_alloc : memref<!tpu.dma_semaphore, #tpu.memory_space<semaphore_mem>>
      %dma_start3A_75 = arith.constant 40 : i32
      %dma_start3A_76 = arith.constant 0 : i32
      %dma_start3A_77 = tpu.memref_slice %arg3[%add3A, %dma_start3A_75, %dma_start3A_76] : memref<32x80x128xi32, #tpu.memory_space<hbm>> -> memref<1x40x128xi32, #tpu.memory_space<hbm>>
      %dma_start3A_78 = tpu.memref_squeeze %dma_start3A_77 : memref<1x40x128xi32, #tpu.memory_space<hbm>> -> memref<40x128xi32, #tpu.memory_space<hbm>>
      %dma_start3A_79 = arith.constant 40 : i32
      %dma_start3A_80 = arith.constant 0 : i32
      %dma_start3A_81 = tpu.memref_slice %arg3[%add3A, %dma_start3A_79, %dma_start3A_80] : memref<32x80x128xi32, #tpu.memory_space<hbm>> -> memref<1x40x128xi32, #tpu.memory_space<hbm>>
      %dma_start3A_82 = tpu.memref_squeeze %dma_start3A_81 : memref<1x40x128xi32, #tpu.memory_space<hbm>> -> memref<40x128xi32, #tpu.memory_space<hbm>>
      tpu.enqueue_dma source(%dma_start3A_82 : memref<40x128xi32, #tpu.memory_space<hbm>>) target(%arg7 : memref<40x128xi32, #tpu.memory_space<vmem>>) target_semaphore(%run_scoped3A_74 : memref<!tpu.dma_semaphore, #tpu.memory_space<semaphore_mem>>)
      %dma_wait3A_83 = arith.constant 40 : i32
      %dma_wait3A_84 = arith.constant 0 : i32
      %dma_wait3A_85 = tpu.memref_slice %arg3[%add3A, %dma_wait3A_83, %dma_wait3A_84] : memref<32x80x128xi32, #tpu.memory_space<hbm>> -> memref<1x40x128xi32, #tpu.memory_space<hbm>>
      %dma_wait3A_86 = tpu.memref_squeeze %dma_wait3A_85 : memref<1x40x128xi32, #tpu.memory_space<hbm>> -> memref<40x128xi32, #tpu.memory_space<hbm>>
      %dma_wait3A_87 = arith.constant 40 : i32
      %dma_wait3A_88 = arith.constant 0 : i32
      %dma_wait3A_89 = tpu.memref_slice %arg3[%add3A, %dma_wait3A_87, %dma_wait3A_88] : memref<32x80x128xi32, #tpu.memory_space<hbm>> -> memref<1x40x128xi32, #tpu.memory_space<hbm>>
      %dma_wait3A_90 = tpu.memref_squeeze %dma_wait3A_89 : memref<1x40x128xi32, #tpu.memory_space<hbm>> -> memref<40x128xi32, #tpu.memory_space<hbm>>
      tpu.wait_dma2 semaphore(%run_scoped3A_74 : memref<!tpu.dma_semaphore, #tpu.memory_space<semaphore_mem>>) src(%dma_wait3A_90 : memref<40x128xi32, #tpu.memory_space<hbm>>) dst(%arg7 : memref<40x128xi32, #tpu.memory_space<vmem>>)
      tpu.yield
    }) : () -> ()
    "tpu.region"() ({
      %run_scoped3A_74 = tpu.sem_alloc : memref<!tpu.dma_semaphore, #tpu.memory_space<semaphore_mem>>
      %dma_start3A_75 = arith.constant 40 : i32
      %dma_start3A_76 = arith.constant 0 : i32
      %dma_start3A_77 = tpu.memref_slice %arg4[%add3A, %dma_start3A_75, %dma_start3A_76] : memref<32x80x128xi32, #tpu.memory_space<hbm>> -> memref<1x40x128xi32, #tpu.memory_space<hbm>>
      %dma_start3A_78 = tpu.memref_squeeze %dma_start3A_77 : memref<1x40x128xi32, #tpu.memory_space<hbm>> -> memref<40x128xi32, #tpu.memory_space<hbm>>
      %dma_start3A_79 = arith.constant 40 : i32
      %dma_start3A_80 = arith.constant 0 : i32
      %dma_start3A_81 = tpu.memref_slice %arg4[%add3A, %dma_start3A_79, %dma_start3A_80] : memref<32x80x128xi32, #tpu.memory_space<hbm>> -> memref<1x40x128xi32, #tpu.memory_space<hbm>>
      %dma_start3A_82 = tpu.memref_squeeze %dma_start3A_81 : memref<1x40x128xi32, #tpu.memory_space<hbm>> -> memref<40x128xi32, #tpu.memory_space<hbm>>
      tpu.enqueue_dma source(%dma_start3A_82 : memref<40x128xi32, #tpu.memory_space<hbm>>) target(%arg8 : memref<40x128xi32, #tpu.memory_space<vmem>>) target_semaphore(%run_scoped3A_74 : memref<!tpu.dma_semaphore, #tpu.memory_space<semaphore_mem>>)
      %dma_wait3A_83 = arith.constant 40 : i32
      %dma_wait3A_84 = arith.constant 0 : i32
      %dma_wait3A_85 = tpu.memref_slice %arg4[%add3A, %dma_wait3A_83, %dma_wait3A_84] : memref<32x80x128xi32, #tpu.memory_space<hbm>> -> memref<1x40x128xi32, #tpu.memory_space<hbm>>
      %dma_wait3A_86 = tpu.memref_squeeze %dma_wait3A_85 : memref<1x40x128xi32, #tpu.memory_space<hbm>> -> memref<40x128xi32, #tpu.memory_space<hbm>>
      %dma_wait3A_87 = arith.constant 40 : i32
      %dma_wait3A_88 = arith.constant 0 : i32
      %dma_wait3A_89 = tpu.memref_slice %arg4[%add3A, %dma_wait3A_87, %dma_wait3A_88] : memref<32x80x128xi32, #tpu.memory_space<hbm>> -> memref<1x40x128xi32, #tpu.memory_space<hbm>>
      %dma_wait3A_90 = tpu.memref_squeeze %dma_wait3A_89 : memref<1x40x128xi32, #tpu.memory_space<hbm>> -> memref<40x128xi32, #tpu.memory_space<hbm>>
      tpu.wait_dma2 semaphore(%run_scoped3A_74 : memref<!tpu.dma_semaphore, #tpu.memory_space<semaphore_mem>>) src(%dma_wait3A_90 : memref<40x128xi32, #tpu.memory_space<hbm>>) dst(%arg8 : memref<40x128xi32, #tpu.memory_space<vmem>>)
      tpu.yield
    }) : () -> ()
    %dma_start3A_35 = arith.constant 0 : i32
    %dma_start3A_36 = arith.constant 0 : i32
    %dma_start3A_37 = tpu.memref_slice %arg7[%dma_start3A_35, %dma_start3A_36] : memref<40x128xi32, #tpu.memory_space<vmem>> -> memref<1x128xi32, #tpu.memory_space<vmem>>
    %dma_start3A_38 = tpu.memref_squeeze %dma_start3A_37 : memref<1x128xi32, #tpu.memory_space<vmem>> -> memref<128xi32, #tpu.memory_space<vmem>>
    %dma_start3A_39 = arith.constant 0 : i32
    %dma_start3A_40 = arith.constant 0 : i32
    %dma_start3A_41 = tpu.memref_slice %arg2[%dma_start3A_39, %dma_start3A_40] : memref<10000x128xf32, #tpu.memory_space<hbm>> -> memref<10000x128xf32, #tpu.memory_space<hbm>>
    tpu.enqueue_indirect_dma source(%dma_start3A_41 : memref<10000x128xf32, #tpu.memory_space<hbm>>) target(%arg9 : memref<128x128xf32, #tpu.memory_space<vmem>>) offsets(%dma_start3A_38 : memref<128xi32, #tpu.memory_space<vmem>>) semaphore(%arg12 : memref<!tpu.dma_semaphore, #tpu.memory_space<semaphore_mem>>)
    %dma_start3A_42 = arith.constant 1 : i32
    %dma_start3A_43 = arith.constant 0 : i32
    %dma_start3A_44 = tpu.memref_slice %arg7[%dma_start3A_42, %dma_start3A_43] : memref<40x128xi32, #tpu.memory_space<vmem>> -> memref<1x128xi32, #tpu.memory_space<vmem>>
    %dma_start3A_45 = tpu.memref_squeeze %dma_start3A_44 : memref<1x128xi32, #tpu.memory_space<vmem>> -> memref<128xi32, #tpu.memory_space<vmem>>
    %dma_start3A_46 = arith.constant 0 : i32
    %dma_start3A_47 = arith.constant 0 : i32
    %dma_start3A_48 = tpu.memref_slice %arg2[%dma_start3A_46, %dma_start3A_47] : memref<10000x128xf32, #tpu.memory_space<hbm>> -> memref<10000x128xf32, #tpu.memory_space<hbm>>
    tpu.enqueue_indirect_dma source(%dma_start3A_48 : memref<10000x128xf32, #tpu.memory_space<hbm>>) target(%arg10 : memref<128x128xf32, #tpu.memory_space<vmem>>) offsets(%dma_start3A_45 : memref<128xi32, #tpu.memory_space<vmem>>) semaphore(%arg13 : memref<!tpu.dma_semaphore, #tpu.memory_space<semaphore_mem>>)
    %scan3A_49 = arith.constant 0 : i32
    %scan3A_50 = arith.constant 0 : i32
    %scan3A_51 = arith.constant 19 : i32
    %scan3A_52 = arith.addi %scan3A_50, %scan3A_51 : i32
    %scan3A_53 = arith.constant 1 : i32
    scf.for %scan3A_74 = %scan3A_50 to %scan3A_52 step %scan3A_53  : i32 {
      %mul3A_75 = arith.constant 2 : i32
      %mul3A_76 = arith.muli %mul3A_75, %scan3A_74 : i32
      %add3A_77 = arith.constant 0 : i32
      %add3A_78 = arith.addi %mul3A_76, %add3A_77 : i32
      %dma_wait3A_79 = arith.constant 0 : i32
      %dma_wait3A_80 = tpu.memref_slice %arg7[%add3A_78, %dma_wait3A_79] : memref<40x128xi32, #tpu.memory_space<vmem>> -> memref<1x128xi32, #tpu.memory_space<vmem>>
      %dma_wait3A_81 = tpu.memref_squeeze %dma_wait3A_80 : memref<1x128xi32, #tpu.memory_space<vmem>> -> memref<128xi32, #tpu.memory_space<vmem>>
      %dma_wait3A_82 = arith.constant 0 : i32
      %dma_wait3A_83 = arith.constant 0 : i32
      %dma_wait3A_84 = tpu.memref_slice %arg2[%dma_wait3A_82, %dma_wait3A_83] : memref<10000x128xf32, #tpu.memory_space<hbm>> -> memref<10000x128xf32, #tpu.memory_space<hbm>>
      tpu.wait_indirect_dma semaphore(%arg12 : memref<!tpu.dma_semaphore, #tpu.memory_space<semaphore_mem>>) src(%dma_wait3A_84 : memref<10000x128xf32, #tpu.memory_space<hbm>>) dst(%arg9 : memref<128x128xf32, #tpu.memory_space<vmem>>)
      "tpu.region"() ({
        %run_scoped3A_109 = tpu.sem_alloc : memref<!tpu.dma_semaphore, #tpu.memory_space<semaphore_mem>>
        %dma_start3A_110 = arith.constant 0 : i32
        %dma_start3A_111 = tpu.memref_slice %arg8[%add3A_78, %dma_start3A_110] : memref<40x128xi32, #tpu.memory_space<vmem>> -> memref<1x128xi32, #tpu.memory_space<vmem>>
        %dma_start3A_112 = tpu.memref_squeeze %dma_start3A_111 : memref<1x128xi32, #tpu.memory_space<vmem>> -> memref<128xi32, #tpu.memory_space<vmem>>
        %dma_start3A_113 = arith.constant 0 : i32
        %dma_start3A_114 = arith.constant 0 : i32
        %dma_start3A_115 = tpu.memref_slice %arg11[%dma_start3A_113, %dma_start3A_114] : memref<10112x128xf32, #tpu.memory_space<vmem_shared>> -> memref<10112x128xf32, #tpu.memory_space<vmem_shared>>
        tpu.enqueue_indirect_dma source(%arg9 : memref<128x128xf32, #tpu.memory_space<vmem>>) target(%dma_start3A_115 : memref<10112x128xf32, #tpu.memory_space<vmem_shared>>) offsets(%dma_start3A_112 : memref<128xi32, #tpu.memory_space<vmem>>) semaphore(%run_scoped3A_109 : memref<!tpu.dma_semaphore, #tpu.memory_space<semaphore_mem>>) {add = true}
        %dma_wait3A_116 = arith.constant 0 : i32
        %dma_wait3A_117 = tpu.memref_slice %arg8[%add3A_78, %dma_wait3A_116] : memref<40x128xi32, #tpu.memory_space<vmem>> -> memref<1x128xi32, #tpu.memory_space<vmem>>
        %dma_wait3A_118 = tpu.memref_squeeze %dma_wait3A_117 : memref<1x128xi32, #tpu.memory_space<vmem>> -> memref<128xi32, #tpu.memory_space<vmem>>
        %dma_wait3A_119 = arith.constant 0 : i32
        %dma_wait3A_120 = arith.constant 0 : i32
        %dma_wait3A_121 = tpu.memref_slice %arg11[%dma_wait3A_119, %dma_wait3A_120] : memref<10112x128xf32, #tpu.memory_space<vmem_shared>> -> memref<10112x128xf32, #tpu.memory_space<vmem_shared>>
        tpu.wait_indirect_dma semaphore(%run_scoped3A_109 : memref<!tpu.dma_semaphore, #tpu.memory_space<semaphore_mem>>) src(%arg9 : memref<128x128xf32, #tpu.memory_space<vmem>>) dst(%dma_wait3A_121 : memref<10112x128xf32, #tpu.memory_space<vmem_shared>>)
        tpu.yield
      }) : () -> ()
      %add3A_85 = arith.constant 2 : i32
      %add3A_86 = arith.addi %add3A_78, %add3A_85 : i32
      %dma_start3A_87 = arith.constant 0 : i32
      %dma_start3A_88 = tpu.memref_slice %arg7[%add3A_86, %dma_start3A_87] : memref<40x128xi32, #tpu.memory_space<vmem>> -> memref<1x128xi32, #tpu.memory_space<vmem>>
      %dma_start3A_89 = tpu.memref_squeeze %dma_start3A_88 : memref<1x128xi32, #tpu.memory_space<vmem>> -> memref<128xi32, #tpu.memory_space<vmem>>
      %dma_start3A_90 = arith.constant 0 : i32
      %dma_start3A_91 = arith.constant 0 : i32
      %dma_start3A_92 = tpu.memref_slice %arg2[%dma_start3A_90, %dma_start3A_91] : memref<10000x128xf32, #tpu.memory_space<hbm>> -> memref<10000x128xf32, #tpu.memory_space<hbm>>
      tpu.enqueue_indirect_dma source(%dma_start3A_92 : memref<10000x128xf32, #tpu.memory_space<hbm>>) target(%arg9 : memref<128x128xf32, #tpu.memory_space<vmem>>) offsets(%dma_start3A_89 : memref<128xi32, #tpu.memory_space<vmem>>) semaphore(%arg12 : memref<!tpu.dma_semaphore, #tpu.memory_space<semaphore_mem>>)
      %add3A_93 = arith.constant 1 : i32
      %add3A_94 = arith.addi %mul3A_76, %add3A_93 : i32
      %dma_wait3A_95 = arith.constant 0 : i32
      %dma_wait3A_96 = tpu.memref_slice %arg7[%add3A_94, %dma_wait3A_95] : memref<40x128xi32, #tpu.memory_space<vmem>> -> memref<1x128xi32, #tpu.memory_space<vmem>>
      %dma_wait3A_97 = tpu.memref_squeeze %dma_wait3A_96 : memref<1x128xi32, #tpu.memory_space<vmem>> -> memref<128xi32, #tpu.memory_space<vmem>>
      %dma_wait3A_98 = arith.constant 0 : i32
      %dma_wait3A_99 = arith.constant 0 : i32
      %dma_wait3A_100 = tpu.memref_slice %arg2[%dma_wait3A_98, %dma_wait3A_99] : memref<10000x128xf32, #tpu.memory_space<hbm>> -> memref<10000x128xf32, #tpu.memory_space<hbm>>
      tpu.wait_indirect_dma semaphore(%arg13 : memref<!tpu.dma_semaphore, #tpu.memory_space<semaphore_mem>>) src(%dma_wait3A_100 : memref<10000x128xf32, #tpu.memory_space<hbm>>) dst(%arg10 : memref<128x128xf32, #tpu.memory_space<vmem>>)
      "tpu.region"() ({
        %run_scoped3A_109 = tpu.sem_alloc : memref<!tpu.dma_semaphore, #tpu.memory_space<semaphore_mem>>
        %dma_start3A_110 = arith.constant 0 : i32
        %dma_start3A_111 = tpu.memref_slice %arg8[%add3A_94, %dma_start3A_110] : memref<40x128xi32, #tpu.memory_space<vmem>> -> memref<1x128xi32, #tpu.memory_space<vmem>>
        %dma_start3A_112 = tpu.memref_squeeze %dma_start3A_111 : memref<1x128xi32, #tpu.memory_space<vmem>> -> memref<128xi32, #tpu.memory_space<vmem>>
        %dma_start3A_113 = arith.constant 0 : i32
        %dma_start3A_114 = arith.constant 0 : i32
        %dma_start3A_115 = tpu.memref_slice %arg11[%dma_start3A_113, %dma_start3A_114] : memref<10112x128xf32, #tpu.memory_space<vmem_shared>> -> memref<10112x128xf32, #tpu.memory_space<vmem_shared>>
        tpu.enqueue_indirect_dma source(%arg10 : memref<128x128xf32, #tpu.memory_space<vmem>>) target(%dma_start3A_115 : memref<10112x128xf32, #tpu.memory_space<vmem_shared>>) offsets(%dma_start3A_112 : memref<128xi32, #tpu.memory_space<vmem>>) semaphore(%run_scoped3A_109 : memref<!tpu.dma_semaphore, #tpu.memory_space<semaphore_mem>>) {add = true}
        %dma_wait3A_116 = arith.constant 0 : i32
        %dma_wait3A_117 = tpu.memref_slice %arg8[%add3A_94, %dma_wait3A_116] : memref<40x128xi32, #tpu.memory_space<vmem>> -> memref<1x128xi32, #tpu.memory_space<vmem>>
        %dma_wait3A_118 = tpu.memref_squeeze %dma_wait3A_117 : memref<1x128xi32, #tpu.memory_space<vmem>> -> memref<128xi32, #tpu.memory_space<vmem>>
        %dma_wait3A_119 = arith.constant 0 : i32
        %dma_wait3A_120 = arith.constant 0 : i32
        %dma_wait3A_121 = tpu.memref_slice %arg11[%dma_wait3A_119, %dma_wait3A_120] : memref<10112x128xf32, #tpu.memory_space<vmem_shared>> -> memref<10112x128xf32, #tpu.memory_space<vmem_shared>>
        tpu.wait_indirect_dma semaphore(%run_scoped3A_109 : memref<!tpu.dma_semaphore, #tpu.memory_space<semaphore_mem>>) src(%arg10 : memref<128x128xf32, #tpu.memory_space<vmem>>) dst(%dma_wait3A_121 : memref<10112x128xf32, #tpu.memory_space<vmem_shared>>)
        tpu.yield
      }) : () -> ()
      %add3A_101 = arith.constant 2 : i32
      %add3A_102 = arith.addi %add3A_94, %add3A_101 : i32
      %dma_start3A_103 = arith.constant 0 : i32
      %dma_start3A_104 = tpu.memref_slice %arg7[%add3A_102, %dma_start3A_103] : memref<40x128xi32, #tpu.memory_space<vmem>> -> memref<1x128xi32, #tpu.memory_space<vmem>>
      %dma_start3A_105 = tpu.memref_squeeze %dma_start3A_104 : memref<1x128xi32, #tpu.memory_space<vmem>> -> memref<128xi32, #tpu.memory_space<vmem>>
      %dma_start3A_106 = arith.constant 0 : i32
      %dma_start3A_107 = arith.constant 0 : i32
      %dma_start3A_108 = tpu.memref_slice %arg2[%dma_start3A_106, %dma_start3A_107] : memref<10000x128xf32, #tpu.memory_space<hbm>> -> memref<10000x128xf32, #tpu.memory_space<hbm>>
      tpu.enqueue_indirect_dma source(%dma_start3A_108 : memref<10000x128xf32, #tpu.memory_space<hbm>>) target(%arg10 : memref<128x128xf32, #tpu.memory_space<vmem>>) offsets(%dma_start3A_105 : memref<128xi32, #tpu.memory_space<vmem>>) semaphore(%arg13 : memref<!tpu.dma_semaphore, #tpu.memory_space<semaphore_mem>>)
    }
    %scan3A_54 = arith.constant 19 : i32
    %dma_wait3A_55 = arith.constant 38 : i32
    %dma_wait3A_56 = arith.constant 0 : i32
    %dma_wait3A_57 = tpu.memref_slice %arg7[%dma_wait3A_55, %dma_wait3A_56] : memref<40x128xi32, #tpu.memory_space<vmem>> -> memref<1x128xi32, #tpu.memory_space<vmem>>
    %dma_wait3A_58 = tpu.memref_squeeze %dma_wait3A_57 : memref<1x128xi32, #tpu.memory_space<vmem>> -> memref<128xi32, #tpu.memory_space<vmem>>
    %dma_wait3A_59 = arith.constant 0 : i32
    %dma_wait3A_60 = arith.constant 0 : i32
    %dma_wait3A_61 = tpu.memref_slice %arg2[%dma_wait3A_59, %dma_wait3A_60] : memref<10000x128xf32, #tpu.memory_space<hbm>> -> memref<10000x128xf32, #tpu.memory_space<hbm>>
    tpu.wait_indirect_dma semaphore(%arg12 : memref<!tpu.dma_semaphore, #tpu.memory_space<semaphore_mem>>) src(%dma_wait3A_61 : memref<10000x128xf32, #tpu.memory_space<hbm>>) dst(%arg9 : memref<128x128xf32, #tpu.memory_space<vmem>>)
    %run_scoped3A_62 = arith.constant 38 : i32
    "tpu.region"() ({
      %run_scoped3A_74 = tpu.sem_alloc : memref<!tpu.dma_semaphore, #tpu.memory_space<semaphore_mem>>
      %dma_start3A_75 = arith.constant 0 : i32
      %dma_start3A_76 = tpu.memref_slice %arg8[%run_scoped3A_62, %dma_start3A_75] : memref<40x128xi32, #tpu.memory_space<vmem>> -> memref<1x128xi32, #tpu.memory_space<vmem>>
      %dma_start3A_77 = tpu.memref_squeeze %dma_start3A_76 : memref<1x128xi32, #tpu.memory_space<vmem>> -> memref<128xi32, #tpu.memory_space<vmem>>
      %dma_start3A_78 = arith.constant 0 : i32
      %dma_start3A_79 = arith.constant 0 : i32
      %dma_start3A_80 = tpu.memref_slice %arg11[%dma_start3A_78, %dma_start3A_79] : memref<10112x128xf32, #tpu.memory_space<vmem_shared>> -> memref<10112x128xf32, #tpu.memory_space<vmem_shared>>
      tpu.enqueue_indirect_dma source(%arg9 : memref<128x128xf32, #tpu.memory_space<vmem>>) target(%dma_start3A_80 : memref<10112x128xf32, #tpu.memory_space<vmem_shared>>) offsets(%dma_start3A_77 : memref<128xi32, #tpu.memory_space<vmem>>) semaphore(%run_scoped3A_74 : memref<!tpu.dma_semaphore, #tpu.memory_space<semaphore_mem>>) {add = true}
      %dma_wait3A_81 = arith.constant 0 : i32
      %dma_wait3A_82 = tpu.memref_slice %arg8[%run_scoped3A_62, %dma_wait3A_81] : memref<40x128xi32, #tpu.memory_space<vmem>> -> memref<1x128xi32, #tpu.memory_space<vmem>>
      %dma_wait3A_83 = tpu.memref_squeeze %dma_wait3A_82 : memref<1x128xi32, #tpu.memory_space<vmem>> -> memref<128xi32, #tpu.memory_space<vmem>>
      %dma_wait3A_84 = arith.constant 0 : i32
      %dma_wait3A_85 = arith.constant 0 : i32
      %dma_wait3A_86 = tpu.memref_slice %arg11[%dma_wait3A_84, %dma_wait3A_85] : memref<10112x128xf32, #tpu.memory_space<vmem_shared>> -> memref<10112x128xf32, #tpu.memory_space<vmem_shared>>
      tpu.wait_indirect_dma semaphore(%run_scoped3A_74 : memref<!tpu.dma_semaphore, #tpu.memory_space<semaphore_mem>>) src(%arg9 : memref<128x128xf32, #tpu.memory_space<vmem>>) dst(%dma_wait3A_86 : memref<10112x128xf32, #tpu.memory_space<vmem_shared>>)
      tpu.yield
    }) : () -> ()
    %dma_wait3A_63 = arith.constant 39 : i32
    %dma_wait3A_64 = arith.constant 0 : i32
    %dma_wait3A_65 = tpu.memref_slice %arg7[%dma_wait3A_63, %dma_wait3A_64] : memref<40x128xi32, #tpu.memory_space<vmem>> -> memref<1x128xi32, #tpu.memory_space<vmem>>
    %dma_wait3A_66 = tpu.memref_squeeze %dma_wait3A_65 : memref<1x128xi32, #tpu.memory_space<vmem>> -> memref<128xi32, #tpu.memory_space<vmem>>
    %dma_wait3A_67 = arith.constant 0 : i32
    %dma_wait3A_68 = arith.constant 0 : i32
    %dma_wait3A_69 = tpu.memref_slice %arg2[%dma_wait3A_67, %dma_wait3A_68] : memref<10000x128xf32, #tpu.memory_space<hbm>> -> memref<10000x128xf32, #tpu.memory_space<hbm>>
    tpu.wait_indirect_dma semaphore(%arg13 : memref<!tpu.dma_semaphore, #tpu.memory_space<semaphore_mem>>) src(%dma_wait3A_69 : memref<10000x128xf32, #tpu.memory_space<hbm>>) dst(%arg10 : memref<128x128xf32, #tpu.memory_space<vmem>>)
    %run_scoped3A_70 = arith.constant 39 : i32
    "tpu.region"() ({
      %run_scoped3A_74 = tpu.sem_alloc : memref<!tpu.dma_semaphore, #tpu.memory_space<semaphore_mem>>
      %dma_start3A_75 = arith.constant 0 : i32
      %dma_start3A_76 = tpu.memref_slice %arg8[%run_scoped3A_70, %dma_start3A_75] : memref<40x128xi32, #tpu.memory_space<vmem>> -> memref<1x128xi32, #tpu.memory_space<vmem>>
      %dma_start3A_77 = tpu.memref_squeeze %dma_start3A_76 : memref<1x128xi32, #tpu.memory_space<vmem>> -> memref<128xi32, #tpu.memory_space<vmem>>
      %dma_start3A_78 = arith.constant 0 : i32
      %dma_start3A_79 = arith.constant 0 : i32
      %dma_start3A_80 = tpu.memref_slice %arg11[%dma_start3A_78, %dma_start3A_79] : memref<10112x128xf32, #tpu.memory_space<vmem_shared>> -> memref<10112x128xf32, #tpu.memory_space<vmem_shared>>
      tpu.enqueue_indirect_dma source(%arg10 : memref<128x128xf32, #tpu.memory_space<vmem>>) target(%dma_start3A_80 : memref<10112x128xf32, #tpu.memory_space<vmem_shared>>) offsets(%dma_start3A_77 : memref<128xi32, #tpu.memory_space<vmem>>) semaphore(%run_scoped3A_74 : memref<!tpu.dma_semaphore, #tpu.memory_space<semaphore_mem>>) {add = true}
      %dma_wait3A_81 = arith.constant 0 : i32
      %dma_wait3A_82 = tpu.memref_slice %arg8[%run_scoped3A_70, %dma_wait3A_81] : memref<40x128xi32, #tpu.memory_space<vmem>> -> memref<1x128xi32, #tpu.memory_space<vmem>>
      %dma_wait3A_83 = tpu.memref_squeeze %dma_wait3A_82 : memref<1x128xi32, #tpu.memory_space<vmem>> -> memref<128xi32, #tpu.memory_space<vmem>>
      %dma_wait3A_84 = arith.constant 0 : i32
      %dma_wait3A_85 = arith.constant 0 : i32
      %dma_wait3A_86 = tpu.memref_slice %arg11[%dma_wait3A_84, %dma_wait3A_85] : memref<10112x128xf32, #tpu.memory_space<vmem_shared>> -> memref<10112x128xf32, #tpu.memory_space<vmem_shared>>
      tpu.wait_indirect_dma semaphore(%run_scoped3A_74 : memref<!tpu.dma_semaphore, #tpu.memory_space<semaphore_mem>>) src(%arg10 : memref<128x128xf32, #tpu.memory_space<vmem>>) dst(%dma_wait3A_86 : memref<10112x128xf32, #tpu.memory_space<vmem_shared>>)
      tpu.yield
    }) : () -> ()
    %barrier3A_71 = arith.constant 0 : index
    tpu.barrier barrier_id(%barrier3A_71)
    %mul3A_72 = arith.constant 632 : i32
    %mul3A_73 = arith.muli %arg1, %mul3A_72 : i32
    "tpu.region"() ({
      %run_scoped3A_74 = tpu.sem_alloc : memref<!tpu.dma_semaphore, #tpu.memory_space<semaphore_mem>>
      %dma_start3A_75 = arith.constant 0 : i32
      %dma_start3A_76 = tpu.memref_slice %arg6[%arg0, %mul3A_73, %dma_start3A_75] : memref<2x10112x128xf32, #tpu.memory_space<hbm>> -> memref<1x632x128xf32, #tpu.memory_space<hbm>>
      %dma_start3A_77 = tpu.memref_squeeze %dma_start3A_76 : memref<1x632x128xf32, #tpu.memory_space<hbm>> -> memref<632x128xf32, #tpu.memory_space<hbm>>
      %dma_start3A_78 = arith.constant 0 : i32
      %dma_start3A_79 = tpu.memref_slice %arg11[%mul3A_73, %dma_start3A_78] : memref<10112x128xf32, #tpu.memory_space<vmem_shared>> -> memref<632x128xf32, #tpu.memory_space<vmem_shared>>
      tpu.enqueue_dma source(%dma_start3A_79 : memref<632x128xf32, #tpu.memory_space<vmem_shared>>) target(%dma_start3A_77 : memref<632x128xf32, #tpu.memory_space<hbm>>) target_semaphore(%run_scoped3A_74 : memref<!tpu.dma_semaphore, #tpu.memory_space<semaphore_mem>>)
      %dma_wait3A_80 = arith.constant 0 : i32
      %dma_wait3A_81 = tpu.memref_slice %arg6[%arg0, %mul3A_73, %dma_wait3A_80] : memref<2x10112x128xf32, #tpu.memory_space<hbm>> -> memref<1x632x128xf32, #tpu.memory_space<hbm>>
      %dma_wait3A_82 = tpu.memref_squeeze %dma_wait3A_81 : memref<1x632x128xf32, #tpu.memory_space<hbm>> -> memref<632x128xf32, #tpu.memory_space<hbm>>
      %dma_wait3A_83 = arith.constant 0 : i32
      %dma_wait3A_84 = tpu.memref_slice %arg11[%mul3A_73, %dma_wait3A_83] : memref<10112x128xf32, #tpu.memory_space<vmem_shared>> -> memref<632x128xf32, #tpu.memory_space<vmem_shared>>
      tpu.wait_dma2 semaphore(%run_scoped3A_74 : memref<!tpu.dma_semaphore, #tpu.memory_space<semaphore_mem>>) src(%dma_wait3A_84 : memref<632x128xf32, #tpu.memory_space<vmem_shared>>) dst(%dma_wait3A_82 : memref<632x128xf32, #tpu.memory_space<hbm>>)
      tpu.yield
    }) : () -> ()
    return
  }
}

module attributes {stable_mosaic.version = 14 : i64} {
  func.func @_fused_mlp_body(%arg0: i32, %arg1: i32, %arg2: memref<2000x128xf32, #tpu.memory_space<vmem>>, %arg3: memref<2x2000x128xf32, #tpu.memory_space<vmem>>, %arg4: memref<512x128xf32, #tpu.memory_space<vmem>>, %arg5: memref<512x128xf32, #tpu.memory_space<vmem>>, %arg6: memref<512xf32, #tpu.memory_space<vmem>>, %arg7: memref<512xf32, #tpu.memory_space<vmem>>, %arg8: memref<512xf32, #tpu.memory_space<vmem>>, %arg9: memref<128x512xf32, #tpu.memory_space<vmem>>, %arg10: memref<128xf32, #tpu.memory_space<vmem>>, %arg11: memref<128xf32, #tpu.memory_space<vmem>>, %arg12: memref<128xf32, #tpu.memory_space<vmem>>, %arg13: memref<2000x128xf32, #tpu.memory_space<vmem>>, %arg14: memref<10000x512xf32, #tpu.memory_space<vmem>>, %arg15: memref<10000x128xf32, #tpu.memory_space<vmem>>, %arg16: memref<1x512xf32, #tpu.memory_space<vmem>>, %arg17: memref<1x512xf32, #tpu.memory_space<vmem>>, %arg18: memref<1x128xf32, #tpu.memory_space<vmem>>, %arg19: memref<1x128xf32, #tpu.memory_space<vmem>>) attributes {dimension_semantics = [#tpu.dimension_semantics<arbitrary>, #tpu.dimension_semantics<arbitrary>], iteration_bounds = array<i64: 3, 5>, scalar_prefetch = 0 : i64, scratch_operands = 6 : i64, tpu.core_type = #tpu.core_type<tc>, window_params = [{transform_indices = @transform_0, window_bounds = array<i64: 2000, 128>}, {transform_indices = @transform_1, window_bounds = array<i64: 2, 2000, 128>}, {pipeline_mode = #tpu.pipeline_mode<synchronous>, transform_indices = @transform_2, window_bounds = array<i64: 512, 128>}, {pipeline_mode = #tpu.pipeline_mode<synchronous>, transform_indices = @transform_3, window_bounds = array<i64: 512, 128>}, {pipeline_mode = #tpu.pipeline_mode<synchronous>, transform_indices = @transform_4, window_bounds = array<i64: 512>}, {pipeline_mode = #tpu.pipeline_mode<synchronous>, transform_indices = @transform_5, window_bounds = array<i64: 512>}, {pipeline_mode = #tpu.pipeline_mode<synchronous>, transform_indices = @transform_6, window_bounds = array<i64: 512>}, {pipeline_mode = #tpu.pipeline_mode<synchronous>, transform_indices = @transform_7, window_bounds = array<i64: 128, 512>}, {pipeline_mode = #tpu.pipeline_mode<synchronous>, transform_indices = @transform_8, window_bounds = array<i64: 128>}, {pipeline_mode = #tpu.pipeline_mode<synchronous>, transform_indices = @transform_9, window_bounds = array<i64: 128>}, {pipeline_mode = #tpu.pipeline_mode<synchronous>, transform_indices = @transform_10, window_bounds = array<i64: 128>}, {transform_indices = @transform_11, window_bounds = array<i64: 2000, 128>}]} {
    %mul3A = arith.constant 2000 : i32
    %mul3A_0 = arith.muli %arg1, %mul3A : i32
    %eq3A = arith.constant 0 : i32
    %eq3A_1 = arith.cmpi eq, %arg0, %eq3A : i32
    %convert_element_type3A = arith.extui %eq3A_1 : i1 to i32
    %cond3A = arith.constant 0 : i32
    %cond3A_2 = arith.cmpi ne, %convert_element_type3A, %cond3A : i32
    scf.if %cond3A_2 {
      %get3A = arith.constant 0 : index
      %get3A_13 = arith.constant 0 : index
      %get3A_14 = arith.constant 0 : index
      %get3A_15 = vector.load %arg3[%get3A, %get3A_13, %get3A_14] : memref<2x2000x128xf32, #tpu.memory_space<vmem>>, vector<1x2000x128xf32>
      %get3A_16 = vector.shape_cast %get3A_15 : vector<1x2000x128xf32> to vector<2000x128xf32>
      %get3A_17 = arith.constant 1 : index
      %get3A_18 = arith.constant 0 : index
      %get3A_19 = arith.constant 0 : index
      %get3A_20 = vector.load %arg3[%get3A_17, %get3A_18, %get3A_19] : memref<2x2000x128xf32, #tpu.memory_space<vmem>>, vector<1x2000x128xf32>
      %get3A_21 = vector.shape_cast %get3A_20 : vector<1x2000x128xf32> to vector<2000x128xf32>
      %add3A = arith.addf %get3A_16, %get3A_21 : vector<2000x128xf32>
      %get3A_22 = arith.constant 0 : index
      %get3A_23 = arith.constant 0 : index
      %get3A_24 = vector.load %arg2[%get3A_22, %get3A_23] : memref<2000x128xf32, #tpu.memory_space<vmem>>, vector<2000x128xf32>
      %get3A_25 = arith.constant 0 : index
      %get3A_26 = arith.constant 0 : index
      %get3A_27 = vector.load %arg4[%get3A_25, %get3A_26] : memref<512x128xf32, #tpu.memory_space<vmem>>, vector<512x128xf32>
      %dot_general3A = arith.constant dense<0.000000e+00> : vector<2000x512xf32>
      %dot_general3A_28 = tpu.matmul %get3A_24, %get3A_27, %dot_general3A {dimension_numbers = #tpu.dot_dimension_numbers<[1], [1], [0], [0], [0, 0, 1, 0], [], []>, transpose_lhs_hint = false} : vector<2000x128xf32>, vector<512x128xf32>, vector<2000x512xf32> -> vector<2000x512xf32>
      %get3A_29 = arith.constant 0 : index
      %get3A_30 = arith.constant 0 : index
      %get3A_31 = vector.load %arg5[%get3A_29, %get3A_30] : memref<512x128xf32, #tpu.memory_space<vmem>>, vector<512x128xf32>
      %dot_general3A_32 = arith.constant dense<0.000000e+00> : vector<2000x512xf32>
      %dot_general3A_33 = tpu.matmul %add3A, %get3A_31, %dot_general3A_32 {dimension_numbers = #tpu.dot_dimension_numbers<[1], [1], [0], [0], [0, 0, 1, 0], [], []>, transpose_lhs_hint = false} : vector<2000x128xf32>, vector<512x128xf32>, vector<2000x512xf32> -> vector<2000x512xf32>
      %add3A_34 = arith.addf %dot_general3A_28, %dot_general3A_33 : vector<2000x512xf32>
      %get3A_35 = arith.constant 0 : index
      %get3A_36 = vector.load %arg6[%get3A_35] : memref<512xf32, #tpu.memory_space<vmem>>, vector<512xf32>
      %broadcast_in_dim3A = vector.shape_cast %get3A_36 : vector<512xf32> to vector<1x512xf32>
      %add3A_37 = vector.broadcast %broadcast_in_dim3A : vector<1x512xf32> to vector<2000x512xf32>
      %add3A_38 = arith.addf %add3A_34, %add3A_37 : vector<2000x512xf32>
      %swap3A = arith.index_cast %mul3A_0 : i32 to index
      %swap3A_39 = arith.constant 0 : index
      %swap3A_40 = vector.load %arg14[%swap3A, %swap3A_39] : memref<10000x512xf32, #tpu.memory_space<vmem>>, vector<2000x512xf32>
      tpu.vector_store %arg14[%swap3A, %swap3A_39], %add3A_38 {strides = array<i32>} : memref<10000x512xf32, #tpu.memory_space<vmem>>, vector<2000x512xf32>,
      %reduce_sum3A = arith.constant dense<0.000000e+00> : vector<512xf32>
      %reduce_sum3A_41 = vector.multi_reduction <add>, %add3A_38, %reduce_sum3A [0] : vector<2000x512xf32> to vector<512xf32>
      %broadcast_in_dim3A_42 = vector.shape_cast %reduce_sum3A_41 : vector<512xf32> to vector<1x512xf32>
      %mul3A_43 = arith.mulf %add3A_38, %add3A_38 : vector<2000x512xf32>
      %reduce_sum3A_44 = arith.constant dense<0.000000e+00> : vector<512xf32>
      %reduce_sum3A_45 = vector.multi_reduction <add>, %mul3A_43, %reduce_sum3A_44 [0] : vector<2000x512xf32> to vector<512xf32>
      %broadcast_in_dim3A_46 = vector.shape_cast %reduce_sum3A_45 : vector<512xf32> to vector<1x512xf32>
      %eq3A_47 = arith.constant 0 : i32
      %eq3A_48 = arith.cmpi eq, %arg1, %eq3A_47 : i32
      %convert_element_type3A_49 = arith.extui %eq3A_48 : i1 to i32
      %cond3A_50 = arith.constant 0 : i32
      %cond3A_51 = arith.cmpi ne, %convert_element_type3A_49, %cond3A_50 : i32
      scf.if %cond3A_51 {
        %swap3A_56 = arith.constant 0 : index
        %swap3A_57 = arith.constant 0 : index
        %swap3A_58 = vector.load %arg16[%swap3A_56, %swap3A_57] : memref<1x512xf32, #tpu.memory_space<vmem>>, vector<1x512xf32>
        tpu.vector_store %arg16[%swap3A_56, %swap3A_57], %broadcast_in_dim3A_42 {strides = array<i32>} : memref<1x512xf32, #tpu.memory_space<vmem>>, vector<1x512xf32>,
        %swap3A_59 = arith.constant 0 : index
        %swap3A_60 = arith.constant 0 : index
        %swap3A_61 = vector.load %arg17[%swap3A_59, %swap3A_60] : memref<1x512xf32, #tpu.memory_space<vmem>>, vector<1x512xf32>
        tpu.vector_store %arg17[%swap3A_59, %swap3A_60], %broadcast_in_dim3A_46 {strides = array<i32>} : memref<1x512xf32, #tpu.memory_space<vmem>>, vector<1x512xf32>,
      } else {
      }
      %gt3A = arith.constant 0 : i32
      %gt3A_52 = arith.cmpi sgt, %arg1, %gt3A : i32
      %convert_element_type3A_53 = arith.extui %gt3A_52 : i1 to i32
      %cond3A_54 = arith.constant 0 : i32
      %cond3A_55 = arith.cmpi ne, %convert_element_type3A_53, %cond3A_54 : i32
      scf.if %cond3A_55 {
        %get3A_56 = arith.constant 0 : index
        %get3A_57 = arith.constant 0 : index
        %get3A_58 = vector.load %arg16[%get3A_56, %get3A_57] : memref<1x512xf32, #tpu.memory_space<vmem>>, vector<1x512xf32>
        %add3A_59 = arith.addf %get3A_58, %broadcast_in_dim3A_42 : vector<1x512xf32>
        %swap3A_60 = arith.constant 0 : index
        %swap3A_61 = arith.constant 0 : index
        %swap3A_62 = vector.load %arg16[%swap3A_60, %swap3A_61] : memref<1x512xf32, #tpu.memory_space<vmem>>, vector<1x512xf32>
        tpu.vector_store %arg16[%swap3A_60, %swap3A_61], %add3A_59 {strides = array<i32>} : memref<1x512xf32, #tpu.memory_space<vmem>>, vector<1x512xf32>,
        %get3A_63 = arith.constant 0 : index
        %get3A_64 = arith.constant 0 : index
        %get3A_65 = vector.load %arg17[%get3A_63, %get3A_64] : memref<1x512xf32, #tpu.memory_space<vmem>>, vector<1x512xf32>
        %add3A_66 = arith.addf %get3A_65, %broadcast_in_dim3A_46 : vector<1x512xf32>
        %swap3A_67 = arith.constant 0 : index
        %swap3A_68 = arith.constant 0 : index
        %swap3A_69 = vector.load %arg17[%swap3A_67, %swap3A_68] : memref<1x512xf32, #tpu.memory_space<vmem>>, vector<1x512xf32>
        tpu.vector_store %arg17[%swap3A_67, %swap3A_68], %add3A_66 {strides = array<i32>} : memref<1x512xf32, #tpu.memory_space<vmem>>, vector<1x512xf32>,
      } else {
      }
    } else {
    }
    %eq3A_3 = arith.constant 1 : i32
    %eq3A_4 = arith.cmpi eq, %arg0, %eq3A_3 : i32
    %convert_element_type3A_5 = arith.extui %eq3A_4 : i1 to i32
    %cond3A_6 = arith.constant 0 : i32
    %cond3A_7 = arith.cmpi ne, %convert_element_type3A_5, %cond3A_6 : i32
    scf.if %cond3A_7 {
      %get3A = arith.constant 0 : index
      %get3A_13 = arith.constant 0 : index
      %get3A_14 = vector.load %arg16[%get3A, %get3A_13] : memref<1x512xf32, #tpu.memory_space<vmem>>, vector<1x512xf32>
      %mul3A_15 = arith.constant 9.99999974E-5 : f32
      %mul3A_16 = vector.broadcast %mul3A_15 : f32 to vector<1x512xf32>
      %mul3A_17 = arith.mulf %get3A_14, %mul3A_16 : vector<1x512xf32>
      %get3A_18 = arith.constant 0 : index
      %get3A_19 = arith.constant 0 : index
      %get3A_20 = vector.load %arg17[%get3A_18, %get3A_19] : memref<1x512xf32, #tpu.memory_space<vmem>>, vector<1x512xf32>
      %mul3A_21 = arith.constant 9.99999974E-5 : f32
      %mul3A_22 = vector.broadcast %mul3A_21 : f32 to vector<1x512xf32>
      %mul3A_23 = arith.mulf %get3A_20, %mul3A_22 : vector<1x512xf32>
      %mul3A_24 = arith.mulf %mul3A_17, %mul3A_17 : vector<1x512xf32>
      %sub3A = arith.subf %mul3A_23, %mul3A_24 : vector<1x512xf32>
      %get3A_25 = arith.index_cast %mul3A_0 : i32 to index
      %get3A_26 = arith.constant 0 : index
      %get3A_27 = vector.load %arg14[%get3A_25, %get3A_26] : memref<10000x512xf32, #tpu.memory_space<vmem>>, vector<2000x512xf32>
      %sub3A_28 = vector.broadcast %mul3A_17 : vector<1x512xf32> to vector<2000x512xf32>
      %sub3A_29 = arith.subf %get3A_27, %sub3A_28 : vector<2000x512xf32>
      %add3A = arith.constant 9.99999974E-6 : f32
      %add3A_30 = vector.broadcast %add3A : f32 to vector<1x512xf32>
      %add3A_31 = arith.addf %sub3A, %add3A_30 : vector<1x512xf32>
      %rsqrt3A = math.rsqrt %add3A_31 : vector<1x512xf32>
      %mul3A_32 = vector.broadcast %rsqrt3A : vector<1x512xf32> to vector<2000x512xf32>
      %mul3A_33 = arith.mulf %sub3A_29, %mul3A_32 : vector<2000x512xf32>
      %get3A_34 = arith.constant 0 : index
      %get3A_35 = vector.load %arg7[%get3A_34] : memref<512xf32, #tpu.memory_space<vmem>>, vector<512xf32>
      %broadcast_in_dim3A = vector.shape_cast %get3A_35 : vector<512xf32> to vector<1x512xf32>
      %mul3A_36 = vector.broadcast %broadcast_in_dim3A : vector<1x512xf32> to vector<2000x512xf32>
      %mul3A_37 = arith.mulf %mul3A_33, %mul3A_36 : vector<2000x512xf32>
      %get3A_38 = arith.constant 0 : index
      %get3A_39 = vector.load %arg8[%get3A_38] : memref<512xf32, #tpu.memory_space<vmem>>, vector<512xf32>
      %broadcast_in_dim3A_40 = vector.shape_cast %get3A_39 : vector<512xf32> to vector<1x512xf32>
      %add3A_41 = vector.broadcast %broadcast_in_dim3A_40 : vector<1x512xf32> to vector<2000x512xf32>
      %add3A_42 = arith.addf %mul3A_37, %add3A_41 : vector<2000x512xf32>
      %max3A = arith.constant 0.000000e+00 : f32
      %max3A_43 = vector.broadcast %max3A : f32 to vector<2000x512xf32>
      %max3A_44 = arith.maximumf %add3A_42, %max3A_43 : vector<2000x512xf32>
      %get3A_45 = arith.constant 0 : index
      %get3A_46 = arith.constant 0 : index
      %get3A_47 = vector.load %arg9[%get3A_45, %get3A_46] : memref<128x512xf32, #tpu.memory_space<vmem>>, vector<128x512xf32>
      %dot_general3A = arith.constant dense<0.000000e+00> : vector<2000x128xf32>
      %dot_general3A_48 = tpu.matmul %max3A_44, %get3A_47, %dot_general3A {dimension_numbers = #tpu.dot_dimension_numbers<[1], [1], [0], [0], [0, 0, 1, 0], [], []>, transpose_lhs_hint = false} : vector<2000x512xf32>, vector<128x512xf32>, vector<2000x128xf32> -> vector<2000x128xf32>
      %get3A_49 = arith.constant 0 : index
      %get3A_50 = vector.load %arg10[%get3A_49] : memref<128xf32, #tpu.memory_space<vmem>>, vector<128xf32>
      %broadcast_in_dim3A_51 = vector.shape_cast %get3A_50 : vector<128xf32> to vector<1x128xf32>
      %add3A_52 = vector.broadcast %broadcast_in_dim3A_51 : vector<1x128xf32> to vector<2000x128xf32>
      %add3A_53 = arith.addf %dot_general3A_48, %add3A_52 : vector<2000x128xf32>
      %swap3A = arith.index_cast %mul3A_0 : i32 to index
      %swap3A_54 = arith.constant 0 : index
      %swap3A_55 = vector.load %arg15[%swap3A, %swap3A_54] : memref<10000x128xf32, #tpu.memory_space<vmem>>, vector<2000x128xf32>
      tpu.vector_store %arg15[%swap3A, %swap3A_54], %add3A_53 {strides = array<i32>} : memref<10000x128xf32, #tpu.memory_space<vmem>>, vector<2000x128xf32>,
      %reduce_sum3A = arith.constant dense<0.000000e+00> : vector<128xf32>
      %reduce_sum3A_56 = vector.multi_reduction <add>, %add3A_53, %reduce_sum3A [0] : vector<2000x128xf32> to vector<128xf32>
      %broadcast_in_dim3A_57 = vector.shape_cast %reduce_sum3A_56 : vector<128xf32> to vector<1x128xf32>
      %mul3A_58 = arith.mulf %add3A_53, %add3A_53 : vector<2000x128xf32>
      %reduce_sum3A_59 = arith.constant dense<0.000000e+00> : vector<128xf32>
      %reduce_sum3A_60 = vector.multi_reduction <add>, %mul3A_58, %reduce_sum3A_59 [0] : vector<2000x128xf32> to vector<128xf32>
      %broadcast_in_dim3A_61 = vector.shape_cast %reduce_sum3A_60 : vector<128xf32> to vector<1x128xf32>
      %eq3A_62 = arith.constant 0 : i32
      %eq3A_63 = arith.cmpi eq, %arg1, %eq3A_62 : i32
      %convert_element_type3A_64 = arith.extui %eq3A_63 : i1 to i32
      %cond3A_65 = arith.constant 0 : i32
      %cond3A_66 = arith.cmpi ne, %convert_element_type3A_64, %cond3A_65 : i32
      scf.if %cond3A_66 {
        %swap3A_71 = arith.constant 0 : index
        %swap3A_72 = arith.constant 0 : index
        %swap3A_73 = vector.load %arg18[%swap3A_71, %swap3A_72] : memref<1x128xf32, #tpu.memory_space<vmem>>, vector<1x128xf32>
        tpu.vector_store %arg18[%swap3A_71, %swap3A_72], %broadcast_in_dim3A_57 {strides = array<i32>} : memref<1x128xf32, #tpu.memory_space<vmem>>, vector<1x128xf32>,
        %swap3A_74 = arith.constant 0 : index
        %swap3A_75 = arith.constant 0 : index
        %swap3A_76 = vector.load %arg19[%swap3A_74, %swap3A_75] : memref<1x128xf32, #tpu.memory_space<vmem>>, vector<1x128xf32>
        tpu.vector_store %arg19[%swap3A_74, %swap3A_75], %broadcast_in_dim3A_61 {strides = array<i32>} : memref<1x128xf32, #tpu.memory_space<vmem>>, vector<1x128xf32>,
      } else {
      }
      %gt3A = arith.constant 0 : i32
      %gt3A_67 = arith.cmpi sgt, %arg1, %gt3A : i32
      %convert_element_type3A_68 = arith.extui %gt3A_67 : i1 to i32
      %cond3A_69 = arith.constant 0 : i32
      %cond3A_70 = arith.cmpi ne, %convert_element_type3A_68, %cond3A_69 : i32
      scf.if %cond3A_70 {
        %get3A_71 = arith.constant 0 : index
        %get3A_72 = arith.constant 0 : index
        %get3A_73 = vector.load %arg18[%get3A_71, %get3A_72] : memref<1x128xf32, #tpu.memory_space<vmem>>, vector<1x128xf32>
        %add3A_74 = arith.addf %get3A_73, %broadcast_in_dim3A_57 : vector<1x128xf32>
        %swap3A_75 = arith.constant 0 : index
        %swap3A_76 = arith.constant 0 : index
        %swap3A_77 = vector.load %arg18[%swap3A_75, %swap3A_76] : memref<1x128xf32, #tpu.memory_space<vmem>>, vector<1x128xf32>
        tpu.vector_store %arg18[%swap3A_75, %swap3A_76], %add3A_74 {strides = array<i32>} : memref<1x128xf32, #tpu.memory_space<vmem>>, vector<1x128xf32>,
        %get3A_78 = arith.constant 0 : index
        %get3A_79 = arith.constant 0 : index
        %get3A_80 = vector.load %arg19[%get3A_78, %get3A_79] : memref<1x128xf32, #tpu.memory_space<vmem>>, vector<1x128xf32>
        %add3A_81 = arith.addf %get3A_80, %broadcast_in_dim3A_61 : vector<1x128xf32>
        %swap3A_82 = arith.constant 0 : index
        %swap3A_83 = arith.constant 0 : index
        %swap3A_84 = vector.load %arg19[%swap3A_82, %swap3A_83] : memref<1x128xf32, #tpu.memory_space<vmem>>, vector<1x128xf32>
        tpu.vector_store %arg19[%swap3A_82, %swap3A_83], %add3A_81 {strides = array<i32>} : memref<1x128xf32, #tpu.memory_space<vmem>>, vector<1x128xf32>,
      } else {
      }
    } else {
    }
    %eq3A_8 = arith.constant 2 : i32
    %eq3A_9 = arith.cmpi eq, %arg0, %eq3A_8 : i32
    %convert_element_type3A_10 = arith.extui %eq3A_9 : i1 to i32
    %cond3A_11 = arith.constant 0 : i32
    %cond3A_12 = arith.cmpi ne, %convert_element_type3A_10, %cond3A_11 : i32
    scf.if %cond3A_12 {
      %get3A = arith.constant 0 : index
      %get3A_13 = arith.constant 0 : index
      %get3A_14 = vector.load %arg18[%get3A, %get3A_13] : memref<1x128xf32, #tpu.memory_space<vmem>>, vector<1x128xf32>
      %mul3A_15 = arith.constant 9.99999974E-5 : f32
      %mul3A_16 = vector.broadcast %mul3A_15 : f32 to vector<1x128xf32>
      %mul3A_17 = arith.mulf %get3A_14, %mul3A_16 : vector<1x128xf32>
      %get3A_18 = arith.constant 0 : index
      %get3A_19 = arith.constant 0 : index
      %get3A_20 = vector.load %arg19[%get3A_18, %get3A_19] : memref<1x128xf32, #tpu.memory_space<vmem>>, vector<1x128xf32>
      %mul3A_21 = arith.constant 9.99999974E-5 : f32
      %mul3A_22 = vector.broadcast %mul3A_21 : f32 to vector<1x128xf32>
      %mul3A_23 = arith.mulf %get3A_20, %mul3A_22 : vector<1x128xf32>
      %mul3A_24 = arith.mulf %mul3A_17, %mul3A_17 : vector<1x128xf32>
      %sub3A = arith.subf %mul3A_23, %mul3A_24 : vector<1x128xf32>
      %get3A_25 = arith.index_cast %mul3A_0 : i32 to index
      %get3A_26 = arith.constant 0 : index
      %get3A_27 = vector.load %arg15[%get3A_25, %get3A_26] : memref<10000x128xf32, #tpu.memory_space<vmem>>, vector<2000x128xf32>
      %sub3A_28 = vector.broadcast %mul3A_17 : vector<1x128xf32> to vector<2000x128xf32>
      %sub3A_29 = arith.subf %get3A_27, %sub3A_28 : vector<2000x128xf32>
      %add3A = arith.constant 9.99999974E-6 : f32
      %add3A_30 = vector.broadcast %add3A : f32 to vector<1x128xf32>
      %add3A_31 = arith.addf %sub3A, %add3A_30 : vector<1x128xf32>
      %rsqrt3A = math.rsqrt %add3A_31 : vector<1x128xf32>
      %mul3A_32 = vector.broadcast %rsqrt3A : vector<1x128xf32> to vector<2000x128xf32>
      %mul3A_33 = arith.mulf %sub3A_29, %mul3A_32 : vector<2000x128xf32>
      %get3A_34 = arith.constant 0 : index
      %get3A_35 = vector.load %arg11[%get3A_34] : memref<128xf32, #tpu.memory_space<vmem>>, vector<128xf32>
      %broadcast_in_dim3A = vector.shape_cast %get3A_35 : vector<128xf32> to vector<1x128xf32>
      %mul3A_36 = vector.broadcast %broadcast_in_dim3A : vector<1x128xf32> to vector<2000x128xf32>
      %mul3A_37 = arith.mulf %mul3A_33, %mul3A_36 : vector<2000x128xf32>
      %get3A_38 = arith.constant 0 : index
      %get3A_39 = vector.load %arg12[%get3A_38] : memref<128xf32, #tpu.memory_space<vmem>>, vector<128xf32>
      %broadcast_in_dim3A_40 = vector.shape_cast %get3A_39 : vector<128xf32> to vector<1x128xf32>
      %add3A_41 = vector.broadcast %broadcast_in_dim3A_40 : vector<1x128xf32> to vector<2000x128xf32>
      %add3A_42 = arith.addf %mul3A_37, %add3A_41 : vector<2000x128xf32>
      %max3A = arith.constant 0.000000e+00 : f32
      %max3A_43 = vector.broadcast %max3A : f32 to vector<2000x128xf32>
      %max3A_44 = arith.maximumf %add3A_42, %max3A_43 : vector<2000x128xf32>
      %swap3A = arith.constant 0 : index
      %swap3A_45 = arith.constant 0 : index
      %swap3A_46 = vector.load %arg13[%swap3A, %swap3A_45] : memref<2000x128xf32, #tpu.memory_space<vmem>>, vector<2000x128xf32>
      tpu.vector_store %arg13[%swap3A, %swap3A_45], %max3A_44 {strides = array<i32>} : memref<2000x128xf32, #tpu.memory_space<vmem>>, vector<2000x128xf32>,
    } else {
    }
    return
  }
  func.func @transform_0(%arg0: i32, %arg1: i32) -> (i32, i32) {
    %eq3A = arith.constant 0 : i32
    %eq3A_0 = arith.cmpi eq, %arg0, %eq3A : i32
    %jit3A = arith.constant 0 : i32
    %select_n3A = arith.select %eq3A_0, %arg1, %jit3A : i32
    %c0_i32 = arith.constant 0 : i32
    %c0_i32_1 = arith.constant 0 : i32
    return %select_n3A, %c0_i32 : i32, i32
  }
  func.func @transform_1(%arg0: i32, %arg1: i32) -> (i32, i32, i32) {
    %eq3A = arith.constant 0 : i32
    %eq3A_0 = arith.cmpi eq, %arg0, %eq3A : i32
    %jit3A = arith.constant 0 : i32
    %select_n3A = arith.select %eq3A_0, %arg1, %jit3A : i32
    %c0_i32 = arith.constant 0 : i32
    %c0_i32_1 = arith.constant 0 : i32
    %c0_i32_2 = arith.constant 0 : i32
    return %c0_i32, %select_n3A, %c0_i32_1 : i32, i32, i32
  }
  func.func @transform_2(%arg0: i32, %arg1: i32) -> (i32, i32) {
    %c0_i32 = arith.constant 0 : i32
    %c0_i32_0 = arith.constant 0 : i32
    %c0_i32_1 = arith.constant 0 : i32
    return %c0_i32, %c0_i32_0 : i32, i32
  }
  func.func @transform_3(%arg0: i32, %arg1: i32) -> (i32, i32) {
    %c0_i32 = arith.constant 0 : i32
    %c0_i32_0 = arith.constant 0 : i32
    %c0_i32_1 = arith.constant 0 : i32
    return %c0_i32, %c0_i32_0 : i32, i32
  }
  func.func @transform_4(%arg0: i32, %arg1: i32) -> i32 {
    %c0_i32 = arith.constant 0 : i32
    %c0_i32_0 = arith.constant 0 : i32
    return %c0_i32 : i32
  }
  func.func @transform_5(%arg0: i32, %arg1: i32) -> i32 {
    %c0_i32 = arith.constant 0 : i32
    %c0_i32_0 = arith.constant 0 : i32
    return %c0_i32 : i32
  }
  func.func @transform_6(%arg0: i32, %arg1: i32) -> i32 {
    %c0_i32 = arith.constant 0 : i32
    %c0_i32_0 = arith.constant 0 : i32
    return %c0_i32 : i32
  }
  func.func @transform_7(%arg0: i32, %arg1: i32) -> (i32, i32) {
    %c0_i32 = arith.constant 0 : i32
    %c0_i32_0 = arith.constant 0 : i32
    %c0_i32_1 = arith.constant 0 : i32
    return %c0_i32, %c0_i32_0 : i32, i32
  }
  func.func @transform_8(%arg0: i32, %arg1: i32) -> i32 {
    %c0_i32 = arith.constant 0 : i32
    %c0_i32_0 = arith.constant 0 : i32
    return %c0_i32 : i32
  }
  func.func @transform_9(%arg0: i32, %arg1: i32) -> i32 {
    %c0_i32 = arith.constant 0 : i32
    %c0_i32_0 = arith.constant 0 : i32
    return %c0_i32 : i32
  }
  func.func @transform_10(%arg0: i32, %arg1: i32) -> i32 {
    %c0_i32 = arith.constant 0 : i32
    %c0_i32_0 = arith.constant 0 : i32
    return %c0_i32 : i32
  }
  func.func @transform_11(%arg0: i32, %arg1: i32) -> (i32, i32) {
    %eq3A = arith.constant 2 : i32
    %eq3A_0 = arith.cmpi eq, %arg0, %eq3A : i32
    %jit3A = arith.constant 0 : i32
    %select_n3A = arith.select %eq3A_0, %arg1, %jit3A : i32
    %c0_i32 = arith.constant 0 : i32
    %c0_i32_1 = arith.constant 0 : i32
    return %select_n3A, %c0_i32 : i32, i32
  }
}

</mosaic_0001>

<sc_bundles>
// kernel: kernel.4.cloned.1.call-start
scs
__scs_entry_jumppad:
0x0: {  	(pc) =	sbr.rel $0x88, $3  }
0x1: {  	(tag) =	ssettag $0x0;
	lr =	simm.s32 $0x1  }
0x2: {  	[smem:$0x3F97] =	sst lr;
	_ =	strace $0xD0000000  }
0x3: {  	_ = 	snop  }
0x4: {  	_ = 	snop  }
0x5: {  	_ = 	snop  }
0x6: {  	_ = 	snop  }
0x7: {  	_ = 	snop  }
__scs_overlays_trampoline_lowered:
0x8: {  	[smem:$0x3FA6] =	sst s0  }
0x9: {  	[smem:$0x3FA7] =	sst s1  }
0xa: {  	[smem:$0x3FA8] =	sst s2  }
0xb: {  	[smem:$0x3FA9] =	sst s3  }
0xc: {  	[smem:$0x3FAA] =	sst s4  }
0xd: {  	[smem:$0x3FAB] =	sst s5  }
0xe: {  	[smem:$0x3FAC] =	sst s6  }
0xf: {  	[smem:$0x3FAD] =	sst s7  }
0x10: {  	[smem:$0x3FAE] =	sst s8  }
0x11: {  	[smem:$0x3FAF] =	sst s9;
	s0 =	simm.s32 @!p0 $0x0  }
0x12: {  	s1 =	sld [smem:$0x3F95];
	s0 =	simm.s32 @p0 $0x1  }
0x13: {  	[smem:$0x3FB0] =	sst s0;
	s0 =	simm.s32 @!p1 $0x0  }
0x14: {  	s2 =	sld [smem:$0x3F94];
	s0 =	simm.s32 @p1 $0x1  }
0x15: {  	[smem:$0x3FB1] =	sst s0;
	s0 =	simm.s32 @!p2 $0x0  }
0x16: {  	s3 =	sld [smem:$0x3FDB];
	s0 =	simm.s32 @p2 $0x1  }
0x17: {  	s4 =	simm.s32 $0x1BF5;
	[smem:$0x3FB3] =	sst s0  }
0x18: {  	s0 =	sld [smem:$0x3F96];
	_ =	swait.ge [sflag:s4], $0x0  }
0x19: {  	s7 =	sld [smem:$0x3F97]  }
0x1a: {  	s8 =	sadd.s32 $0xFFFFE003, lr  }
0x1b: {  	s9 =	sadd.s32 $0xFFFFFEF7, lr;
	s5 =	simm.s32 $0xFFFFFFFF;
	p2 =	slt.u32 s8, $0xFFFFF086  }
0x1c: {  	p1 =	slt.u32 s9, $0xF7A;
	s5 =	simm.s32 @!p2 $0x0  }
0x1d: {  	s5 =	simm.s32 @p1 $0x1;
	p0 =	seq.s32 s7, s2  }
0x1e: {  	s7 =	smul.u32 @!p0 $0xF7A, s2;
	p2 =	seq.s32 @!p0 s5, $0x0  }
0x1f: {  	s9 =	smul.u32 $0xF7A, s1;
	s8 =	simm.s32 @!p0 $0x1BF5;
	p2 =	por !p2, p0  }
0x20: {  	[sflag:s8] =	ssyncset.s32 @!p0 $0xFFFFF086;
	s6 =	sadd.s32 @!p0 s3, s7;
	s7 =	simm.s32 @!p0 $0x108  }
0x21: {  	s3 =	sadd.s32 s3, s9;
	s6 =	sadd.s32 @!p0 $0x88, s6;
	s7 =	simm.s32 @p2 $0x1082  }
0x22: {  	[simem:s7], [sflag:s8] =	dma.local @!p0 [hbm:s6], $0xF7A  }
0x23: {  	s9 =	sor.u32 $0xD0000000, s2;
	s6 =	simm.s32 $0x108;
	_ =	swait.ge @!p0 [sflag:s8], $0x0  }
0x24: {  	s3 =	sadd.s32 $0x88, s3;
	s6 =	simm.s32 @!p1 $0x1082;
	[sflag:s4] =	ssyncset.s32 $0xFFFFF086  }
0x25: {  	[simem:s6], [sflag:s4] =	dma.local [hbm:s3], $0xF7A  }
0x26: {  	[smem:$0x3F97] =	sst s1;
	(tag) =	ssettag s2;
	_ =	strace s9  }
0x27: {  	s1 =	sld [smem:$0x3FA7]  }
0x28: {  	s2 =	sld [smem:$0x3FA8]  }
0x29: {  	s4 =	sld [smem:$0x3FAA]  }
0x2a: {  	p0 =	seq.s32 s5, $0x0;
	s5 =	sld [smem:$0x3FAB]  }
0x2b: {  	s6 =	sld [smem:$0x3FAC]  }
0x2c: {  	s7 =	sld [smem:$0x3FAD]  }
0x2d: {  	s3 =	simm.s32 $0x108;
	s8 =	sld [smem:$0x3FAE]  }
0x2e: {  	s3 =	simm.s32 @!p0 $0x1082;
	s9 =	sld [smem:$0x3FAF]  }
0x2f: {  	lr =	sadd.s32 s0, s3;
	s0 =	sld [smem:$0x3FA6]  }
0x30: {  	s3 =	sld [smem:$0x3FA9]  }
0x31: {  	[smem:$0x3FB2] =	sst s10  }
0x32: {  	s10 =	sld [smem:$0x3FB0];
	_ =	sdelay $0x3  }
0x33: {  	p0 =	seq.s32 s10, $0x1;
	s10 =	sld [smem:$0x3FB2];
	_ =	sdelay $0x3  }
0x34: {  	[smem:$0x3FB2] =	sst s10  }
0x35: {  	s10 =	sld [smem:$0x3FB1];
	_ =	sdelay $0x3  }
0x36: {  	p1 =	seq.s32 s10, $0x1;
	s10 =	sld [smem:$0x3FB2];
	_ =	sdelay $0x3  }
0x37: {  	[smem:$0x3FB2] =	sst s10  }
0x38: {  	s10 =	sld [smem:$0x3FB3]  }
0x39: {  	_ = 	snop;
	(pc) =	sbr.ind lr, $3  }
0x3a: {  	_ = 	snop  }
0x3b: {  	_ = 	snop  }
0x3c: {  	p2 =	seq.s32 s10, $0x1;
	s10 =	sld [smem:$0x3FB2]  }
0x3d: {  	_ =	shalt  }
0x3e: {  	_ =	shalt  }
0x3f: {  	_ =	shalt  }
0x40: {  	_ =	shalt  }
0x41: {  	_ =	shalt  }
0x42: {  	_ =	shalt  }
0x43: {  	_ =	shalt  }
0x44: {  	_ =	shalt  }
0x45: {  	_ =	shalt  }
0x46: {  	_ =	shalt  }
0x47: {  	_ =	shalt  }
0x48: {  	_ =	shalt  }
0x49: {  	_ =	shalt  }
0x4a: {  	_ =	shalt  }
0x4b: {  	_ =	shalt  }
0x4c: {  	_ =	shalt  }
0x4d: {  	_ =	shalt  }
0x4e: {  	_ =	shalt  }
0x4f: {  	_ =	shalt  }
0x50: {  	_ =	shalt  }
0x51: {  	_ =	shalt  }
0x52: {  	_ =	shalt  }
0x53: {  	_ =	shalt  }
0x54: {  	_ =	shalt  }
0x55: {  	_ =	shalt  }
0x56: {  	_ =	shalt  }
0x57: {  	_ =	shalt  }
0x58: {  	_ =	shalt  }
0x59: {  	_ =	shalt  }
0x5a: {  	_ =	shalt  }
0x5b: {  	_ =	shalt  }
0x5c: {  	_ =	shalt  }
0x5d: {  	_ =	shalt  }
0x5e: {  	_ =	shalt  }
0x5f: {  	_ =	shalt  }
0x60: {  	_ =	shalt  }
0x61: {  	_ =	shalt  }
0x62: {  	_ =	shalt  }
0x63: {  	_ =	shalt  }
0x64: {  	_ =	shalt  }
0x65: {  	_ =	shalt  }
0x66: {  	_ =	shalt  }
0x67: {  	_ =	shalt  }
0x68: {  	_ =	shalt  }
0x69: {  	_ =	shalt  }
0x6a: {  	_ =	shalt  }
0x6b: {  	_ =	shalt  }
0x6c: {  	_ =	shalt  }
0x6d: {  	_ =	shalt  }
0x6e: {  	_ =	shalt  }
0x6f: {  	_ =	shalt  }
0x70: {  	_ =	shalt  }
0x71: {  	_ =	shalt  }
0x72: {  	_ =	shalt  }
0x73: {  	_ =	shalt  }
0x74: {  	_ =	shalt  }
0x75: {  	_ =	shalt  }
0x76: {  	_ =	shalt  }
0x77: {  	_ =	shalt  }
0x78: {  	_ =	shalt  }
0x79: {  	_ =	shalt  }
0x7a: {  	_ =	shalt  }
0x7b: {  	_ =	shalt  }
0x7c: {  	_ =	shalt  }
0x7d: {  	_ =	shalt  }
0x7e: {  	_ =	shalt  }
0x7f: {  	_ =	shalt  }
0x80: {  	_ =	shalt  }
0x81: {  	_ =	shalt  }
0x82: {  	_ =	shalt  }
0x83: {  	_ =	shalt  }
0x84: {  	_ =	shalt  }
0x85: {  	_ =	shalt  }
0x86: {  	_ =	shalt  }
0x87: {  	_ =	shalt  }
.Lfunc_end0:
.L_simem_size_0:
called_computation_lowered:
.L_overlay_start_0:
0x88: {  	s2 =	sld [smem:$0x3FD9]  }
0x89: {  	s3 =	sld [smem:$0x3FFE];
	_ =	sdelay $0x1  }
0x8a: {  	s1 =	srdreg.scid  }
0x8b: {  	s0 =	sand.u32 $0x1, s1  }
0x8c: {  	s17 =	sshll.u32 s0, $0xA;
	s2 =	sadd.s32 s3, s2  }
0x8d: {  	s2 =	sadd.s32 s2, s17  }
0x8e: {  	[smem:$0x3FBE] =	sst s2  }
0x8f: {  	_ = 	snop  }
0x90: {  	s2 =	sld [smem:$0x3FC9]  }
0x91: {  	s18 =	sld [smem:$0x3FD0];
	(tm) =	ssettm $0x1  }
0x92: {  	s4 =	sld [smem:$0x3FFB];
	_ =	sdelay $0x3  }
0x93: {  	_ =	strace s4  }
0x94: {  	s4 =	sld [smem:$0x3FFC];
	_ =	sdelay $0x3  }
0x95: {  	_ =	strace s4  }
0x96: {  	s4 =	sld [smem:$0x3FFD];
	_ =	sdelay $0x3  }
0x97: {  	_ =	strace s4  }
0x98: {  	_ =	strace $0x8FFFFFFF  }
0x99: {  	s19 =	sld [smem:$0x3FDB];
	_ =	sdelay $0x1  }
0x9a: {  	s5 =	simm.s32 $_scs_section_size  }
0x9b: {  	s6 =	simm.s32 $_size__tile_overlayer_lowered;
	s7 =	simm.s32 $_tile_overlayer_lowered  }
0x9c: {  	s22 =	simm.s32 $0x1BFF;
	s21 =	sshll.u32 s7, $0x1;
	s4 =	sadd.s32 s5, s19  }
0x9d: {  	s8 =	simm.s32 $0x0;
	s20 =	sshll.u32 s6, $0x1;
	s6 =	sadd.s32 s21, s4  }
0x9e: {  	[timem:s8], [sflag:s22] =	dma.local [hbm:s6], s20  }
0x9f: {  	_ =	swait.ge [sflag:s22], s20  }
0xa0: {  	s5 =	ssub.s32 $0x0, s20;
	[sflag:s22] =	ssyncset.done $0x0  }
0xa1: {  	[sflag:s22] =	ssyncadd.s32 s5;
	_ =	sdelay $0x1  }
0xa2: {  	s23 =	simm.s32 $0x1B8B  }
0xa3: {  	_ =	swait.ge [sflag:s23], $0x1  }
0xa4: {  	[sflag:s23] =	ssyncset.done $0x0  }
0xa5: {  	s25 =	simm.s32 $0x1B8E;
	s24 =	sld [smem:$0x3FFE];
	[sflag:s23] =	ssyncadd.s32 $0xFFFFFFFF  }
0xa6: {  	s26 =	simm.s32 $execute0_lowered;
	[smem:$0x3FD2] =	sst s25  }
0xa7: {  	s6 =	sshll.u32 s26, $0x1;
	_ =	strace $0x80000046;
	[dreg:$0x1] =	wrdreg $0xFFFFFFFF  }
0xa8: {  	s28 =	simm.s32 $_size_execute0_lowered;
	s4 =	sadd.s32 s4, s6;
	[dreg:$0x0] =	wrdreg $0x0  }
0xa9: {  	s6 =	sshll.u32 s28, $0x1;
	[dreg:$0x2] =	wrdreg s4  }
0xaa: {  	[dreg:$0x3] =	wrdreg s6  }
0xab: {  	[dreg:$0x4] =	wrdreg $0xC0  }
0xac: {  	_ =	task [dreg:s8], $0x5FFFF  }
0xad: {  	[dreg:$0x1] =	wrdreg $0xFFFFFFFF  }
0xae: {  	[dreg:$0x0] =	wrdreg $0x60  }
0xaf: {  	[dreg:$0x2] =	wrdreg s2  }
0xb0: {  	[dreg:$0x3] =	wrdreg s18  }
0xb1: {  	[dreg:$0x4] =	wrdreg s24  }
0xb2: {  	[dreg:$0x5] =	wrdreg $0xA8000  }
0xb3: {  	[dreg:$0x6] =	wrdreg $0x9  }
0xb4: {  	_ =	task.clear_ibuf [dreg:s8], $0x7FFFF;
	_ =	strace $0x90000046  }
0xb5: {  	s29 =	simm.s32 $0x9;
	_ =	strace $0x80000048  }
0xb6: {  	_ =	swait.ge [sflag:s29], $0x1  }
0xb7: {  	[sflag:s29] =	ssyncadd.s32 $0xFFFFFFFF  }
0xb8: {  	_ =	strace $0x90000048  }
0xb9: {  	_ =	sfence  }
0xba: {  	s30 =	sld [smem:$0x0];
	_ =	sdelay $0x2  }
0xbb: {  	s31 =	sshll.u32 s1, $0xD;
	s1 =	sshrl.u32 s1, $0x2  }
0xbc: {  	s3 =	sand.u32 $0x4000, s31;
	s1 =	sadd.s32 s1, s30  }
0xbd: {  	s0 =	sor.u32 s3, s0;
	s1 =	sshll.u32 s1, $0x11  }
0xbe: {  	s0 =	sor.u32 s1, s0  }
0xbf: {  	s0 =	sadd.s32 $0x8F2B, s0  }
0xc0: {  	[sflag:s0] =	ssyncadd.remote.s32 $0x1  }
0xc1: {  	_ =	sfence.sel $0xFFFF  }
0xc2: {  	[dreg:$0x0] =	wrdreg $0xFFFFFFFF;
	(pc) =	sbr.abs _section_cstart, $3  }
0xc3: {  	[dreg:$0x1] =	wrdreg $0xFFFFFFFF  }
0xc4: {  	_ =	task.clear_ibuf [dreg:s8], $0x2FFFF;
	_ =	strace $0x9FFFFFFF  }
0xc5: {  	(tm) =	ssettm $0x7FFFFFFF  }
tec
execute0_lowered:
.L_overlay_start_1:
0x0: {  	(tag) =	ssettag $0x1  }
0x1: {  	s1 =	rddreg [dreg:$0x0]  }
0x2: {  	s7 =	rddreg [dreg:$0x1]  }
0x3: {  	s5 =	rddreg [dreg:$0x2]  }
0x4: {  	s2 =	rddreg [dreg:$0x3];
	s3 =	srdreg.scid  }
0x5: {  	s0 =	rddreg [dreg:$0x4];
	s21 =	stileid.u32;
	s14 =	simm.s32 $0x80  }
0x6: {  	s15 =	simm.s32 $0x2800;
	s16 =	simm.s32 $0x6800;
	s17 =	simm.s32 $0x1  }
0x7: {  	s18 =	simm.s32 $0x2;
	s19 =	simm.s32 $0x2700;
	s20 =	simm.s32 $0x2780  }
0x8: {  	s23 =	simm.s32 $0x0;
	s4 =	sand.u32 $0x1, s3;
	s3 =	simm.s32 $0x0  }
0x9: {  	s8 =	smul.u32 $0x13C00, s21;
	s9 =	sshll.u32 s21, $0x1;
	s10 =	sadd.s32 $0x200, s5  }
0xa: {  	s30 =	smul.u32 $0x4F000, s21;
	p0 =	sne.s32 s21, $0x0;
	s21 =	sshll.u32 s21, $0x6  }
0xb: {  	s6 =	smul.u32 $0x13C000, s4;
	[smem:$0x7FF] =	sst s3;
	s26 =	sor.u32 s4, s9  }
0xc: {  	s28 =	ssub.s32 $0x2, s4;
	s4 =	sadd.s32 $0xA200, s5;
	s13 =	sshrl.u32 @!p0 s2, $0x3  }
0xd: {  	s21 =	sor.u32 $0x1C03, s21;
	_ =	strace $0x80000047;
	s29 =	sshrl.u32 s28, $0x1  }
0xe: {  	s31 =	sshrl.u32 s30, $0x2;
	s6 =	sadd.s32 s8, s6;
	s8 =	smul.u32 $0x2800, s26  }
0xf: {  	s12 =	ssub.s32 s28, s29;
	s22 =	sadd.s32 s31, s2;
	s6 =	sshrl.u32 s6, $0x3  }
0x10: {  	s22 =	sshrl.u32 s22, $0x3;
	s11 =	sadd.s32 s6, s5;
	s8 =	sshrl.u32 s8, $0x3  }
0x11: {  	s5 =	sadd.s32 s7, s8;
	s6 =	sadd.s32 s10, s8;
	s8 =	sadd.s32 $0x280, s8  }
0x12: {  	s9 =	sadd.s32 $0x31A00, s11;
	s11 =	simm.s32 $0x3;
	s7 =	sadd.s32 s7, s8  }
0x13: {  	s8 =	sadd.s32 s10, s8;
	s10 =	smax.u32 s12, $0x1;
	s12 =	simm.s32 $0x1400  }
.LBB2_1:
0x14: {  	[tilespmem:s3], [sflag:$0x3] =	stream.linear.gather [hbm4b:s5+s3], $0x1400, $0x38;
	[tilespmem:$0x1E400] =	vst v63  }
0x15: {  	_ =	swait.ge [sflag:s11], $0x1400  }
0x16: {  	[sflag:s11] =	ssyncset.done $0x0  }
0x17: {  	[sflag:s11] =	ssyncadd.s32 $0xFFFFEC00  }
0x18: {  	[tilespmem:s12], [sflag:$0x3] =	stream.linear.gather [hbm4b:s6+s3], $0x1400, $0x38;
	[tilespmem:$0x1E400] =	vst v63  }
0x19: {  	_ =	swait.ge [sflag:s11], $0x1400  }
0x1a: {  	[sflag:s11] =	ssyncset.done $0x0  }
0x1b: {  	s24 =	simm.s32 @!p0 $0x1C03;
	[sflag:s11] =	ssyncadd.s32 $0xFFFFEC00  }
0x1c: {  	[spmem:s13], [sflag:s24] =	dma.local @!p0 [hbm:s4], $0x27800  }
0x1d: {  	s24 =	simm.s32 @!p0 $0x3  }
0x1e: {  	_ =	swait.ge @!p0 [sflag:s24], $0x27800  }
0x1f: {  	[sflag:s24] =	ssyncset.done @!p0 $0x0  }
0x20: {  	[sflag:s24] =	ssyncadd.s32 @!p0 $0xFFFD8800  }
0x21: {  	[bflag:$0x0] =	sbarrier.arrive $0xFFFF  }
0x22: {  	[tilespmem:s15], [sflag:$0x1] =	stream.indirect.gather [hbm4b:s1+s14], $0x80, s3, s14, $0xb8;
	[tilespmem:$0x1E400] =	vst v63  }
0x23: {  	_ = 	snop  }
0x24: {  	[tilespmem:s16], [sflag:$0x2] =	stream.indirect.gather [hbm4b:s1+s14], $0x80, s14, s14, $0xb8;
	[tilespmem:$0x1E400] =	vst v63  }
0x25: {  	_ =	swait.ge [sflag:s17], $0x4000  }
0x26: {  	[sflag:s17] =	ssyncset.done $0x0  }
0x27: {  	s29 =	simm.s32 $0x1400;
	[sflag:s17] =	ssyncadd.s32 $0xFFFFC000  }
0x28: {  	[spmem:s2] =	stream.indirect.scatter.add.f32 [tilespmem:s15], [sflag:$0x3], $0x80, s29, s14, $0xb8;
	[tilespmem:$0x1E400] =	vst v63  }
0x29: {  	_ =	swait.ge [sflag:s11], $0x4000  }
0x2a: {  	[sflag:s11] =	ssyncset.done $0x0  }
0x2b: {  	s30 =	simm.s32 $0x100;
	[sflag:s11] =	ssyncadd.s32 $0xFFFFC000  }
0x2c: {  	[tilespmem:s15], [sflag:$0x1] =	stream.indirect.gather [hbm4b:s1+s14], $0x80, s30, s14, $0xb8;
	[tilespmem:$0x1E400] =	vst v63  }
0x2d: {  	_ =	swait.ge [sflag:s18], $0x4000  }
0x2e: {  	[sflag:s18] =	ssyncset.done $0x0  }
0x2f: {  	s31 =	simm.s32 $0x1480;
	[sflag:s18] =	ssyncadd.s32 $0xFFFFC000  }
0x30: {  	[spmem:s2] =	stream.indirect.scatter.add.f32 [tilespmem:s16], [sflag:$0x3], $0x80, s31, s14, $0xb8;
	[tilespmem:$0x1E400] =	vst v63  }
0x31: {  	_ =	swait.ge [sflag:s11], $0x4000  }
0x32: {  	[sflag:s11] =	ssyncset.done $0x0  }
0x33: {  	s25 =	simm.s32 $0x180;
	s24 =	simm.s32 $0x400;
	[sflag:s11] =	ssyncadd.s32 $0xFFFFC000  }
.LBB2_2:
0x34: {  	[tilespmem:s16], [sflag:$0x2] =	stream.indirect.gather [hbm4b:s1+s14], $0x80, s25, s14, $0xb8;
	[tilespmem:$0x1E400] =	vst v63  }
0x35: {  	s25 =	smov.u32 s24  }
0x36: {  	p1 =	sne.s32 s24, $0x4800;
	s24 =	sadd.s32 $0x400, s24;
	_ =	swait.ge [sflag:s17], $0x4000  }
0x37: {  	s25 =	sshra.s32 s25, $0x2;
	[sflag:s17] =	ssyncset.done $0x0  }
0x38: {  	s26 =	sadd.s32 $0x1400, s25;
	[sflag:s17] =	ssyncadd.s32 $0xFFFFC000  }
0x39: {  	[spmem:s2] =	stream.indirect.scatter.add.f32 [tilespmem:s15], [sflag:$0x3], $0x80, s26, s14, $0xb8;
	[tilespmem:$0x1E400] =	vst v63  }
0x3a: {  	_ =	swait.ge [sflag:s11], $0x4000  }
0x3b: {  	[sflag:s11] =	ssyncset.done $0x0  }
0x3c: {  	s26 =	sadd.s32 $0x100, s25;
	[sflag:s11] =	ssyncadd.s32 $0xFFFFC000  }
0x3d: {  	[tilespmem:s15], [sflag:$0x1] =	stream.indirect.gather [hbm4b:s1+s14], $0x80, s26, s14, $0xb8;
	[tilespmem:$0x1E400] =	vst v63  }
0x3e: {  	_ =	swait.ge [sflag:s18], $0x4000  }
0x3f: {  	[sflag:s18] =	ssyncset.done $0x0  }
.Ltmp0:
0x40: {  	s26 =	sadd.s32 $0x1480, s25;
	[sflag:s18] =	ssyncadd.s32 $0xFFFFC000;
	(pc) =	sbr.rel @p1 .LBB2_2-.Ltmp0, $4  }
0x41: {  	[spmem:s2] =	stream.indirect.scatter.add.f32 [tilespmem:s16], [sflag:$0x3], $0x80, s26, s14, $0xb8;
	[tilespmem:$0x1E400] =	vst v63  }
0x42: {  	_ =	swait.ge [sflag:s11], $0x4000  }
0x43: {  	[sflag:s11] =	ssyncset.done $0x0  }
0x44: {  	s25 =	sadd.s32 $0x180, s25;
	[sflag:s11] =	ssyncadd.s32 $0xFFFFC000  }
0x45: {  	[tilespmem:s16], [sflag:$0x2] =	stream.indirect.gather [hbm4b:s1+s14], $0x80, s25, s14, $0xb8;
	[tilespmem:$0x1E400] =	vst v63  }
0x46: {  	_ =	swait.ge [sflag:s17], $0x4000  }
0x47: {  	[sflag:s17] =	ssyncset.done $0x0  }
0x48: {  	[sflag:s17] =	ssyncadd.s32 $0xFFFFC000  }
0x49: {  	[spmem:s2] =	stream.indirect.scatter.add.f32 [tilespmem:s15], [sflag:$0x3], $0x80, s19, s14, $0xb8;
	[tilespmem:$0x1E400] =	vst v63  }
0x4a: {  	_ =	swait.ge [sflag:s11], $0x4000  }
0x4b: {  	[sflag:s11] =	ssyncset.done $0x0  }
0x4c: {  	[sflag:s11] =	ssyncadd.s32 $0xFFFFC000  }
0x4d: {  	_ =	swait.ge [sflag:s18], $0x4000  }
0x4e: {  	[sflag:s18] =	ssyncset.done $0x0  }
0x4f: {  	[sflag:s18] =	ssyncadd.s32 $0xFFFFC000  }
0x50: {  	[spmem:s2] =	stream.indirect.scatter.add.f32 [tilespmem:s16], [sflag:$0x3], $0x80, s20, s14, $0xb8;
	[tilespmem:$0x1E400] =	vst v63  }
0x51: {  	_ =	swait.ge [sflag:s11], $0x4000  }
0x52: {  	[sflag:s11] =	ssyncset.done $0x0  }
0x53: {  	s24 =	simm.s32 $0x0;
	[sflag:s11] =	ssyncadd.s32 $0xFFFFC000  }
0x54: {  	[tilespmem:s24], [sflag:$0x3] =	stream.linear.gather [hbm4b:s7+s24], $0x1400, $0x38;
	[tilespmem:$0x1E400] =	vst v63  }
0x55: {  	_ =	swait.ge [sflag:s11], $0x1400  }
0x56: {  	[sflag:s11] =	ssyncset.done $0x0  }
0x57: {  	[sflag:s11] =	ssyncadd.s32 $0xFFFFEC00  }
0x58: {  	[tilespmem:s12], [sflag:$0x3] =	stream.linear.gather [hbm4b:s8+s24], $0x1400, $0x38;
	[tilespmem:$0x1E400] =	vst v63  }
0x59: {  	_ =	swait.ge [sflag:s11], $0x1400  }
0x5a: {  	[sflag:s11] =	ssyncset.done $0x0  }
0x5b: {  	[sflag:s11] =	ssyncadd.s32 $0xFFFFEC00  }
0x5c: {  	[tilespmem:s15], [sflag:$0x1] =	stream.indirect.gather [hbm4b:s1+s14], $0x80, s24, s14, $0xb8;
	[tilespmem:$0x1E400] =	vst v63  }
0x5d: {  	_ = 	snop  }
0x5e: {  	[tilespmem:s16], [sflag:$0x2] =	stream.indirect.gather [hbm4b:s1+s14], $0x80, s14, s14, $0xb8;
	[tilespmem:$0x1E400] =	vst v63  }
0x5f: {  	_ =	swait.ge [sflag:s17], $0x4000  }
0x60: {  	[sflag:s17] =	ssyncset.done $0x0  }
0x61: {  	s29 =	simm.s32 $0x1400;
	[sflag:s17] =	ssyncadd.s32 $0xFFFFC000  }
0x62: {  	[spmem:s2] =	stream.indirect.scatter.add.f32 [tilespmem:s15], [sflag:$0x3], $0x80, s29, s14, $0xb8;
	[tilespmem:$0x1E400] =	vst v63  }
0x63: {  	_ =	swait.ge [sflag:s11], $0x4000  }
0x64: {  	[sflag:s11] =	ssyncset.done $0x0  }
0x65: {  	s30 =	simm.s32 $0x100;
	[sflag:s11] =	ssyncadd.s32 $0xFFFFC000  }
0x66: {  	[tilespmem:s15], [sflag:$0x1] =	stream.indirect.gather [hbm4b:s1+s14], $0x80, s30, s14, $0xb8;
	[tilespmem:$0x1E400] =	vst v63  }
0x67: {  	_ =	swait.ge [sflag:s18], $0x4000  }
0x68: {  	[sflag:s18] =	ssyncset.done $0x0  }
0x69: {  	s31 =	simm.s32 $0x1480;
	[sflag:s18] =	ssyncadd.s32 $0xFFFFC000  }
0x6a: {  	[spmem:s2] =	stream.indirect.scatter.add.f32 [tilespmem:s16], [sflag:$0x3], $0x80, s31, s14, $0xb8;
	[tilespmem:$0x1E400] =	vst v63  }
0x6b: {  	_ =	swait.ge [sflag:s11], $0x4000  }
0x6c: {  	[sflag:s11] =	ssyncset.done $0x0  }
0x6d: {  	s25 =	simm.s32 $0x180;
	s24 =	simm.s32 $0x400;
	[sflag:s11] =	ssyncadd.s32 $0xFFFFC000  }
.LBB2_4:
0x6e: {  	[tilespmem:s16], [sflag:$0x2] =	stream.indirect.gather [hbm4b:s1+s14], $0x80, s25, s14, $0xb8;
	[tilespmem:$0x1E400] =	vst v63  }
0x6f: {  	s25 =	smov.u32 s24  }
0x70: {  	p1 =	sne.s32 s24, $0x4800;
	s24 =	sadd.s32 $0x400, s24;
	_ =	swait.ge [sflag:s17], $0x4000  }
0x71: {  	s25 =	sshra.s32 s25, $0x2;
	[sflag:s17] =	ssyncset.done $0x0  }
0x72: {  	s26 =	sadd.s32 $0x1400, s25;
	[sflag:s17] =	ssyncadd.s32 $0xFFFFC000  }
0x73: {  	[spmem:s2] =	stream.indirect.scatter.add.f32 [tilespmem:s15], [sflag:$0x3], $0x80, s26, s14, $0xb8;
	[tilespmem:$0x1E400] =	vst v63  }
0x74: {  	_ =	swait.ge [sflag:s11], $0x4000  }
0x75: {  	[sflag:s11] =	ssyncset.done $0x0  }
0x76: {  	s26 =	sadd.s32 $0x100, s25;
	[sflag:s11] =	ssyncadd.s32 $0xFFFFC000  }
0x77: {  	[tilespmem:s15], [sflag:$0x1] =	stream.indirect.gather [hbm4b:s1+s14], $0x80, s26, s14, $0xb8;
	[tilespmem:$0x1E400] =	vst v63  }
0x78: {  	_ =	swait.ge [sflag:s18], $0x4000  }
0x79: {  	[sflag:s18] =	ssyncset.done $0x0  }
.Ltmp1:
0x7a: {  	s26 =	sadd.s32 $0x1480, s25;
	[sflag:s18] =	ssyncadd.s32 $0xFFFFC000;
	(pc) =	sbr.rel @p1 .LBB2_4-.Ltmp1, $4  }
0x7b: {  	[spmem:s2] =	stream.indirect.scatter.add.f32 [tilespmem:s16], [sflag:$0x3], $0x80, s26, s14, $0xb8;
	[tilespmem:$0x1E400] =	vst v63  }
0x7c: {  	_ =	swait.ge [sflag:s11], $0x4000  }
0x7d: {  	[sflag:s11] =	ssyncset.done $0x0  }
0x7e: {  	s25 =	sadd.s32 $0x180, s25;
	[sflag:s11] =	ssyncadd.s32 $0xFFFFC000  }
0x7f: {  	[tilespmem:s16], [sflag:$0x2] =	stream.indirect.gather [hbm4b:s1+s14], $0x80, s25, s14, $0xb8;
	[tilespmem:$0x1E400] =	vst v63  }
0x80: {  	_ =	swait.ge [sflag:s17], $0x4000  }
0x81: {  	[sflag:s17] =	ssyncset.done $0x0  }
0x82: {  	[sflag:s17] =	ssyncadd.s32 $0xFFFFC000  }
0x83: {  	[spmem:s2] =	stream.indirect.scatter.add.f32 [tilespmem:s15], [sflag:$0x3], $0x80, s19, s14, $0xb8;
	[tilespmem:$0x1E400] =	vst v63  }
0x84: {  	_ =	swait.ge [sflag:s11], $0x4000  }
0x85: {  	[sflag:s11] =	ssyncset.done $0x0  }
0x86: {  	[sflag:s11] =	ssyncadd.s32 $0xFFFFC000  }
0x87: {  	_ =	swait.ge [sflag:s18], $0x4000  }
0x88: {  	[sflag:s18] =	ssyncset.done $0x0  }
0x89: {  	[sflag:s18] =	ssyncadd.s32 $0xFFFFC000  }
0x8a: {  	[spmem:s2] =	stream.indirect.scatter.add.f32 [tilespmem:s16], [sflag:$0x3], $0x80, s20, s14, $0xb8;
	[tilespmem:$0x1E400] =	vst v63  }
0x8b: {  	_ =	swait.ge [sflag:s11], $0x4000  }
0x8c: {  	s23 =	sadd.s32 $0x1, s23;
	[sflag:s11] =	ssyncset.done $0x0  }
0x8d: {  	p1 =	sne.s32 s23, s10;
	[sflag:s11] =	ssyncadd.s32 $0xFFFFC000  }
.Ltmp2:
0x8e: {  	[bflag:$0x0] =	sbarrier.arrive $0xFFFF;
	(pc) =	sbr.rel @p1 .LBB2_1-.Ltmp2, $4  }
0x8f: {  	[hbm:s9], [sflag:s21] =	dma.local [spmem:s22], $0x2780  }
0x90: {  	_ =	swait.ge [sflag:s11], $0x2780  }
0x91: {  	[sflag:s11] =	ssyncset.done $0x0  }
0x92: {  	[sflag:s11] =	ssyncadd.s32 $0xFFFFD880  }
0x93: {  	_ =	sfence.sel $0x180000  }
0x94: {  	[bflag:$0x0] =	sbarrier.arrive $0xFFFF  }
0x95: {  	_ =	strace $0x90000047  }
0x96: {  	s0 =	sadd.s32 @!p0 $0x100000, s0;
	[bflag:$0x2] =	sbarrier.arrive $0xFFFF  }
0x97: {  	[sflag:s0] =	ssyncadd.tile.s32 @!p0 $0x1;
	_ =	shalt  }
.Lfunc_end2:
_tile_overlayer_lowered:
.L_overlay_start_2:
0x98: {  	(tag) =	ssettag $0x2  }
0x99: {  	s0 =	rddreg [dreg:$0x0];
	s2 =	stileid.u32  }
0x9a: {  	s1 =	rddreg [dreg:$0x1];
	p0 =	sne.s32 s2, $0x0  }
0x9b: {  	s3 =	rddreg [dreg:$0x2];
	[bflag:$0x3] =	sbarrier.arrive $0xFFFF;
	s2 =	simm.s32 @!p0 $0x1C03  }
0x9c: {  	[timem:s3], [sflag:s2] =	dma.local @!p0 [hbm:s0], s1  }
0x9d: {  	s0 =	simm.s32 @!p0 $0x3  }
0x9e: {  	_ =	swait.ge @!p0 [sflag:s0], s1  }
0x9f: {  	s1 =	ssub.s32 @!p0 $0x0, s1;
	[sflag:s0] =	ssyncset.done @!p0 $0x0  }
0xa0: {  	[sflag:s0] =	ssyncadd.s32 @!p0 s1  }
0xa1: {  	[bflag:$0x3] =	sbarrier.arrive $0xFFFF  }
0xa2: {  	_ =	shalt  }

</sc_bundles>
